<compile_context>
chip_gen: v7x
topology: tpu7x:2x2x1
jax: 0.10.2.dev20260603
libtpu: 0.0.44.dev20260713+nightly
codegen_flags: <defaults>
</compile_context>

<pallas_src>
import functools

import jax
import jax.numpy as jnp
from jax import lax
from jax.experimental import pallas as pl
from jax.experimental.pallas import tpu as pltpu
from jax.experimental.pallas import tpu_sc as plsc

_EPS = 1e-12

_SC_CORES = 2
_SC_SUBCORES = 16
_SC_WORKERS = _SC_CORES * _SC_SUBCORES
_IDX_CHUNK = 128


def _emb_prep_body(emb_n_ref, w_out_t_ref, b_out_ref, embw_ref):
    embw_ref[...] = (
        lax.dot_general(emb_n_ref[...], w_out_t_ref[...], (((1,), (0,)), ((), ())),
                        preferred_element_type=jnp.float32)
        + b_out_ref[...]
    )


def _scores_argmin_body(zfn_ref, emb_n_ref, idx_ref):
    s = lax.dot_general(zfn_ref[...], emb_n_ref[...], (((1,), (1,)), ((), ())),
                        preferred_element_type=jnp.float32)
    n_e = s.shape[1]
    rows = s.shape[0]
    out = []
    for r0 in range(0, rows, 128):
        sr = s[r0:r0 + 128, :]
        m = sr[:, 0:128]
        cidx = jnp.zeros((128, 128), jnp.int32)
        for c in range(1, n_e // 128):
            sv = sr[:, c * 128:(c + 1) * 128]
            upd = sv > m
            m = jnp.where(upd, sv, m)
            cidx = jnp.where(upd, jnp.int32(c), cidx)
        gidx = cidx * 128 + lax.broadcasted_iota(jnp.int32, (128, 128), 1)
        mx = jnp.max(m, axis=1, keepdims=True)
        cand = jnp.where(m == mx, gidx, n_e)
        out.append(jnp.min(cand, axis=1))
    idx_ref[0, 0, :] = jnp.concatenate(out, axis=0)


def _sc_gather(n_tok, n_e, d):
    chunks_per_worker = n_tok // (_SC_WORKERS * _IDX_CHUNK)
    mesh = plsc.VectorSubcoreMesh(core_axis_name="c", subcore_axis_name="s")

    @functools.partial(
        pl.kernel,
        mesh=mesh,
        out_type=jax.ShapeDtypeStruct((n_tok, d), jnp.float32),
        scratch_types=[
            pltpu.VMEM((chunks_per_worker, _IDX_CHUNK), jnp.int32),
            pltpu.VMEM((_IDX_CHUNK, d), jnp.float32),
            pltpu.VMEM((_IDX_CHUNK, d), jnp.float32),
            pltpu.SemaphoreType.DMA,
        ],
    )
    def gather(table_hbm, idx_hbm, out_hbm, idx_v, rows0_v, rows1_v, sem):
        wid = lax.axis_index("s") * _SC_CORES + lax.axis_index("c")
        first = wid * chunks_per_worker
        pltpu.sync_copy(idx_hbm.at[pl.ds(first, chunks_per_worker)], idx_v)
        rows = [rows0_v, rows1_v]
        copies = [
            pltpu.async_copy(table_hbm.at[idx_v.at[j]], rows[j % 2], sem)
            for j in range(chunks_per_worker)
        ]
        for j in range(chunks_per_worker):
            copies[j].wait()
            pltpu.sync_copy(
                rows[j % 2],
                out_hbm.at[pl.ds((first + j) * _IDX_CHUNK, _IDX_CHUNK)])

    return gather


def kernel(z, mask, W_in, b_in, W_out, b_out, emb):
    b, s, latent = z.shape
    n_tok = b * s
    n_e, e_dim = emb.shape

    cb_blk = 1024
    tok_blk = 256

    zf = z.reshape(n_tok, latent) @ W_in.T + b_in
    nz = jnp.linalg.norm(zf, axis=-1, keepdims=True)
    zfn = zf / jnp.maximum(nz, _EPS)
    ne = jnp.linalg.norm(emb, axis=-1, keepdims=True)
    emb_n = emb / jnp.maximum(ne, _EPS)
    zfn_b = zfn.astype(jnp.bfloat16)
    emb_nb = emb_n.astype(jnp.bfloat16)

    embw = pl.pallas_call(
        _emb_prep_body,
        grid=(n_e // cb_blk,),
        in_specs=[
            pl.BlockSpec((cb_blk, e_dim), lambda i: (i, 0)),
            pl.BlockSpec((e_dim, latent), lambda i: (0, 0)),
            pl.BlockSpec((1, latent), lambda i: (0, 0)),
        ],
        out_specs=pl.BlockSpec((cb_blk, latent), lambda i: (i, 0)),
        out_shape=jax.ShapeDtypeStruct((n_e, latent), jnp.float32),
    )(emb_n, W_out.T, b_out.reshape(1, latent))

    idx3 = pl.pallas_call(
        _scores_argmin_body,
        grid=(n_tok // tok_blk,),
        in_specs=[
            pl.BlockSpec((tok_blk, e_dim), lambda i: (i, 0)),
            pl.BlockSpec((n_e, e_dim), lambda i: (0, 0)),
        ],
        out_specs=pl.BlockSpec((1, 1, tok_blk), lambda i: (i, 0, 0)),
        out_shape=jax.ShapeDtypeStruct((n_tok // tok_blk, 1, tok_blk), jnp.int32),
    )(zfn_b, emb_nb)

    idx = idx3.reshape(n_tok)
    z_q_flat = _sc_gather(n_tok, n_e, latent)(
        embw, idx.reshape(n_tok // _IDX_CHUNK, _IDX_CHUNK))
    return z_q_flat.reshape(z.shape), idx

# --- scband reference (transcript-rebuilt; emitter-appended) ---
"""Pipeline reference for scband-vector-quantizer-4449586119192 (READ-ONLY COPY).

The authoritative reference and input builder live on the scoring server;
editing this copy changes nothing except your own understanding.
"""

import jax, jax.numpy as jnp
import numpy as np

B, S, LATENT, E_DIM, N_E = 8, 1024, 384, 64, 8192

def _l2norm(x, eps=1e-12):
    n = jnp.linalg.norm(x, axis=-1, keepdims=True)
    return x / jnp.maximum(n, eps)

def setup_inputs(seed: int = 0):
    key = jax.random.key(seed)
    ks = jax.random.split(key, 8)
    z = jax.random.normal(ks[0], (B, S, LATENT), dtype=jnp.float32)
    mask = jnp.ones((B, S), dtype=bool)
    W_in = jax.random.normal(ks[1], (E_DIM, LATENT), dtype=jnp.float32) * (1.0 / np.sqrt(LATENT))
    b_in = jnp.zeros((E_DIM,), dtype=jnp.float32)
    W_out = jax.random.normal(ks[2], (LATENT, E_DIM), dtype=jnp.float32) * (1.0 / np.sqrt(E_DIM))
    b_out = jnp.zeros((LATENT,), dtype=jnp.float32)
    limit = float(np.sqrt(6.0 / (N_E + E_DIM)))
    emb = jax.random.uniform(ks[3], (N_E, E_DIM), minval=-limit, maxval=limit, dtype=jnp.float32)
    return {"z": z, "mask": mask, "W_in": W_in, "b_in": b_in, "W_out": W_out, "b_out": b_out, "emb": emb}

def reference(z, mask, W_in, b_in, W_out, b_out, emb):
    # flatten (B, S, E) -> (B*S, E)
    zf = z.reshape(-1, z.shape[-1])
    # input linear map
    zf = zf @ W_in.T + b_in
    # F.normalize along dim=1
    zf = _l2norm(zf)
    # embedding.weight.data = F.normalize(embedding.weight.data)
    emb_n = _l2norm(emb)
    # d = -z_flat @ emb^T
    d = -(zf @ emb_n.T)
    min_encoding_indices = jnp.argmin(d, axis=1)
    # embedding lookup (gather)
    z_q_flat = jnp.take(emb_n, min_encoding_indices, axis=0)
    # straight-through estimator
    z_q_flat = zf + z_q_flat - jax.lax.stop_gradient(zf)
    # output linear map
    z_q_flat = z_q_flat @ W_out.T + b_out
    z_q = z_q_flat.reshape(z.shape)
    return (z_q, min_encoding_indices)

if __name__ == "__main__":
    import jax
    _d = setup_inputs()
    print(jax.jit(kernel)(*tuple(_d.values())))

</pallas_src>

<mosaic_0001>
#map = affine_map<(d0, d1) -> (0, 0)>
module attributes {stable_mosaic.version = 14 : i64} {
  func.func @gather(%arg0: i32, %arg1: i32, %arg2: memref<8192x384xf32, #tpu.memory_space<hbm>>, %arg3: memref<64x128xi32, #tpu.memory_space<hbm>>, %arg4: memref<8192x384xf32, #tpu.memory_space<hbm>>, %arg5: memref<2x128xi32, #tpu.memory_space<vmem>>, %arg6: memref<128x384xf32, #tpu.memory_space<vmem>>, %arg7: memref<128x384xf32, #tpu.memory_space<vmem>>, %arg8: memref<!tpu.dma_semaphore, #tpu.memory_space<semaphore_mem>>) attributes {dimension_semantics = [#tpu.dimension_semantics<core_parallel>, #tpu.dimension_semantics<subcore_parallel>], iteration_bounds = array<i64: 2, 16>, scalar_prefetch = 0 : i64, scratch_operands = 4 : i64, tpu.core_type = #tpu.core_type<sc_vector_subcore>, window_params = [{transform_indices = #map}, {transform_indices = #map}, {transform_indices = #map}]} {
    %mul3A = arith.constant 2 : i32
    %mul3A_0 = arith.muli %arg1, %mul3A : i32
    %add3A = arith.addi %mul3A_0, %arg0 : i32
    %mul3A_1 = arith.constant 2 : i32
    %mul3A_2 = arith.muli %add3A, %mul3A_1 : i32
    "tpu.region"() ({
      %run_scoped3A = tpu.sem_alloc : memref<!tpu.dma_semaphore, #tpu.memory_space<semaphore_mem>>
      %dma_start3A_37 = arith.constant 0 : i32
      %dma_start3A_38 = tpu.memref_slice %arg3[%mul3A_2, %dma_start3A_37] : memref<64x128xi32, #tpu.memory_space<hbm>> -> memref<2x128xi32, #tpu.memory_space<hbm>>
      %dma_start3A_39 = arith.constant 0 : i32
      %dma_start3A_40 = tpu.memref_slice %arg3[%mul3A_2, %dma_start3A_39] : memref<64x128xi32, #tpu.memory_space<hbm>> -> memref<2x128xi32, #tpu.memory_space<hbm>>
      tpu.enqueue_dma source(%dma_start3A_40 : memref<2x128xi32, #tpu.memory_space<hbm>>) target(%arg5 : memref<2x128xi32, #tpu.memory_space<vmem>>) target_semaphore(%run_scoped3A : memref<!tpu.dma_semaphore, #tpu.memory_space<semaphore_mem>>)
      %dma_wait3A_41 = arith.constant 0 : i32
      %dma_wait3A_42 = tpu.memref_slice %arg3[%mul3A_2, %dma_wait3A_41] : memref<64x128xi32, #tpu.memory_space<hbm>> -> memref<2x128xi32, #tpu.memory_space<hbm>>
      %dma_wait3A_43 = arith.constant 0 : i32
      %dma_wait3A_44 = tpu.memref_slice %arg3[%mul3A_2, %dma_wait3A_43] : memref<64x128xi32, #tpu.memory_space<hbm>> -> memref<2x128xi32, #tpu.memory_space<hbm>>
      tpu.wait_dma2 semaphore(%run_scoped3A : memref<!tpu.dma_semaphore, #tpu.memory_space<semaphore_mem>>) src(%dma_wait3A_44 : memref<2x128xi32, #tpu.memory_space<hbm>>) dst(%arg5 : memref<2x128xi32, #tpu.memory_space<vmem>>)
      tpu.yield
    }) : () -> ()
    %dma_start3A = arith.constant 0 : i32
    %dma_start3A_3 = arith.constant 0 : i32
    %dma_start3A_4 = tpu.memref_slice %arg5[%dma_start3A, %dma_start3A_3] : memref<2x128xi32, #tpu.memory_space<vmem>> -> memref<1x128xi32, #tpu.memory_space<vmem>>
    %dma_start3A_5 = tpu.memref_squeeze %dma_start3A_4 : memref<1x128xi32, #tpu.memory_space<vmem>> -> memref<128xi32, #tpu.memory_space<vmem>>
    %dma_start3A_6 = arith.constant 0 : i32
    %dma_start3A_7 = arith.constant 0 : i32
    %dma_start3A_8 = tpu.memref_slice %arg2[%dma_start3A_6, %dma_start3A_7] : memref<8192x384xf32, #tpu.memory_space<hbm>> -> memref<8192x384xf32, #tpu.memory_space<hbm>>
    tpu.enqueue_indirect_dma source(%dma_start3A_8 : memref<8192x384xf32, #tpu.memory_space<hbm>>) target(%arg6 : memref<128x384xf32, #tpu.memory_space<vmem>>) offsets(%dma_start3A_5 : memref<128xi32, #tpu.memory_space<vmem>>) semaphore(%arg8 : memref<!tpu.dma_semaphore, #tpu.memory_space<semaphore_mem>>)
    %dma_start3A_9 = arith.constant 1 : i32
    %dma_start3A_10 = arith.constant 0 : i32
    %dma_start3A_11 = tpu.memref_slice %arg5[%dma_start3A_9, %dma_start3A_10] : memref<2x128xi32, #tpu.memory_space<vmem>> -> memref<1x128xi32, #tpu.memory_space<vmem>>
    %dma_start3A_12 = tpu.memref_squeeze %dma_start3A_11 : memref<1x128xi32, #tpu.memory_space<vmem>> -> memref<128xi32, #tpu.memory_space<vmem>>
    %dma_start3A_13 = arith.constant 0 : i32
    %dma_start3A_14 = arith.constant 0 : i32
    %dma_start3A_15 = tpu.memref_slice %arg2[%dma_start3A_13, %dma_start3A_14] : memref<8192x384xf32, #tpu.memory_space<hbm>> -> memref<8192x384xf32, #tpu.memory_space<hbm>>
    tpu.enqueue_indirect_dma source(%dma_start3A_15 : memref<8192x384xf32, #tpu.memory_space<hbm>>) target(%arg7 : memref<128x384xf32, #tpu.memory_space<vmem>>) offsets(%dma_start3A_12 : memref<128xi32, #tpu.memory_space<vmem>>) semaphore(%arg8 : memref<!tpu.dma_semaphore, #tpu.memory_space<semaphore_mem>>)
    %dma_wait3A = arith.constant 0 : i32
    %dma_wait3A_16 = arith.constant 0 : i32
    %dma_wait3A_17 = tpu.memref_slice %arg5[%dma_wait3A, %dma_wait3A_16] : memref<2x128xi32, #tpu.memory_space<vmem>> -> memref<1x128xi32, #tpu.memory_space<vmem>>
    %dma_wait3A_18 = tpu.memref_squeeze %dma_wait3A_17 : memref<1x128xi32, #tpu.memory_space<vmem>> -> memref<128xi32, #tpu.memory_space<vmem>>
    %dma_wait3A_19 = arith.constant 0 : i32
    %dma_wait3A_20 = arith.constant 0 : i32
    %dma_wait3A_21 = tpu.memref_slice %arg2[%dma_wait3A_19, %dma_wait3A_20] : memref<8192x384xf32, #tpu.memory_space<hbm>> -> memref<8192x384xf32, #tpu.memory_space<hbm>>
    tpu.wait_indirect_dma semaphore(%arg8 : memref<!tpu.dma_semaphore, #tpu.memory_space<semaphore_mem>>) src(%dma_wait3A_21 : memref<8192x384xf32, #tpu.memory_space<hbm>>) dst(%arg6 : memref<128x384xf32, #tpu.memory_space<vmem>>)
    %add3A_22 = arith.constant 0 : i32
    %add3A_23 = arith.addi %mul3A_2, %add3A_22 : i32
    %mul3A_24 = arith.constant 128 : i32
    %mul3A_25 = arith.muli %add3A_23, %mul3A_24 : i32
    "tpu.region"() ({
      %run_scoped3A = tpu.sem_alloc : memref<!tpu.dma_semaphore, #tpu.memory_space<semaphore_mem>>
      %dma_start3A_37 = arith.constant 0 : i32
      %dma_start3A_38 = tpu.memref_slice %arg4[%mul3A_25, %dma_start3A_37] : memref<8192x384xf32, #tpu.memory_space<hbm>> -> memref<128x384xf32, #tpu.memory_space<hbm>>
      %dma_start3A_39 = arith.constant 0 : i32
      %dma_start3A_40 = tpu.memref_slice %arg4[%mul3A_25, %dma_start3A_39] : memref<8192x384xf32, #tpu.memory_space<hbm>> -> memref<128x384xf32, #tpu.memory_space<hbm>>
      tpu.enqueue_dma source(%arg6 : memref<128x384xf32, #tpu.memory_space<vmem>>) target(%dma_start3A_40 : memref<128x384xf32, #tpu.memory_space<hbm>>) target_semaphore(%run_scoped3A : memref<!tpu.dma_semaphore, #tpu.memory_space<semaphore_mem>>)
      %dma_wait3A_41 = arith.constant 0 : i32
      %dma_wait3A_42 = tpu.memref_slice %arg4[%mul3A_25, %dma_wait3A_41] : memref<8192x384xf32, #tpu.memory_space<hbm>> -> memref<128x384xf32, #tpu.memory_space<hbm>>
      %dma_wait3A_43 = arith.constant 0 : i32
      %dma_wait3A_44 = tpu.memref_slice %arg4[%mul3A_25, %dma_wait3A_43] : memref<8192x384xf32, #tpu.memory_space<hbm>> -> memref<128x384xf32, #tpu.memory_space<hbm>>
      tpu.wait_dma2 semaphore(%run_scoped3A : memref<!tpu.dma_semaphore, #tpu.memory_space<semaphore_mem>>) src(%arg6 : memref<128x384xf32, #tpu.memory_space<vmem>>) dst(%dma_wait3A_44 : memref<128x384xf32, #tpu.memory_space<hbm>>)
      tpu.yield
    }) : () -> ()
    %dma_wait3A_26 = arith.constant 1 : i32
    %dma_wait3A_27 = arith.constant 0 : i32
    %dma_wait3A_28 = tpu.memref_slice %arg5[%dma_wait3A_26, %dma_wait3A_27] : memref<2x128xi32, #tpu.memory_space<vmem>> -> memref<1x128xi32, #tpu.memory_space<vmem>>
    %dma_wait3A_29 = tpu.memref_squeeze %dma_wait3A_28 : memref<1x128xi32, #tpu.memory_space<vmem>> -> memref<128xi32, #tpu.memory_space<vmem>>
    %dma_wait3A_30 = arith.constant 0 : i32
    %dma_wait3A_31 = arith.constant 0 : i32
    %dma_wait3A_32 = tpu.memref_slice %arg2[%dma_wait3A_30, %dma_wait3A_31] : memref<8192x384xf32, #tpu.memory_space<hbm>> -> memref<8192x384xf32, #tpu.memory_space<hbm>>
    tpu.wait_indirect_dma semaphore(%arg8 : memref<!tpu.dma_semaphore, #tpu.memory_space<semaphore_mem>>) src(%dma_wait3A_32 : memref<8192x384xf32, #tpu.memory_space<hbm>>) dst(%arg7 : memref<128x384xf32, #tpu.memory_space<vmem>>)
    %add3A_33 = arith.constant 1 : i32
    %add3A_34 = arith.addi %mul3A_2, %add3A_33 : i32
    %mul3A_35 = arith.constant 128 : i32
    %mul3A_36 = arith.muli %add3A_34, %mul3A_35 : i32
    "tpu.region"() ({
      %run_scoped3A = tpu.sem_alloc : memref<!tpu.dma_semaphore, #tpu.memory_space<semaphore_mem>>
      %dma_start3A_37 = arith.constant 0 : i32
      %dma_start3A_38 = tpu.memref_slice %arg4[%mul3A_36, %dma_start3A_37] : memref<8192x384xf32, #tpu.memory_space<hbm>> -> memref<128x384xf32, #tpu.memory_space<hbm>>
      %dma_start3A_39 = arith.constant 0 : i32
      %dma_start3A_40 = tpu.memref_slice %arg4[%mul3A_36, %dma_start3A_39] : memref<8192x384xf32, #tpu.memory_space<hbm>> -> memref<128x384xf32, #tpu.memory_space<hbm>>
      tpu.enqueue_dma source(%arg7 : memref<128x384xf32, #tpu.memory_space<vmem>>) target(%dma_start3A_40 : memref<128x384xf32, #tpu.memory_space<hbm>>) target_semaphore(%run_scoped3A : memref<!tpu.dma_semaphore, #tpu.memory_space<semaphore_mem>>)
      %dma_wait3A_41 = arith.constant 0 : i32
      %dma_wait3A_42 = tpu.memref_slice %arg4[%mul3A_36, %dma_wait3A_41] : memref<8192x384xf32, #tpu.memory_space<hbm>> -> memref<128x384xf32, #tpu.memory_space<hbm>>
      %dma_wait3A_43 = arith.constant 0 : i32
      %dma_wait3A_44 = tpu.memref_slice %arg4[%mul3A_36, %dma_wait3A_43] : memref<8192x384xf32, #tpu.memory_space<hbm>> -> memref<128x384xf32, #tpu.memory_space<hbm>>
      tpu.wait_dma2 semaphore(%run_scoped3A : memref<!tpu.dma_semaphore, #tpu.memory_space<semaphore_mem>>) src(%arg7 : memref<128x384xf32, #tpu.memory_space<vmem>>) dst(%dma_wait3A_44 : memref<128x384xf32, #tpu.memory_space<hbm>>)
      tpu.yield
    }) : () -> ()
    return
  }
}

module attributes {stable_mosaic.version = 14 : i64} {
  func.func @_scores_argmin_body(%arg0: i32, %arg1: memref<256x64xbf16, #tpu.memory_space<vmem>>, %arg2: memref<8192x64xbf16, #tpu.memory_space<vmem>>, %arg3: memref<1x1x256xi32, #tpu.memory_space<vmem>>) attributes {dimension_semantics = [#tpu.dimension_semantics<arbitrary>], iteration_bounds = array<i64: 32>, scalar_prefetch = 0 : i64, scratch_operands = 0 : i64, tpu.core_type = #tpu.core_type<tc>, window_params = [{transform_indices = @transform_0, window_bounds = array<i64: 256, 64>}, {pipeline_mode = #tpu.pipeline_mode<synchronous>, transform_indices = @transform_1, window_bounds = array<i64: 8192, 64>}, {transform_indices = @transform_2, window_bounds = array<i64: 1, 1, 256>}]} {
    %get3A = arith.constant 0 : index
    %get3A_0 = arith.constant 0 : index
    %get3A_1 = vector.load %arg1[%get3A, %get3A_0] : memref<256x64xbf16, #tpu.memory_space<vmem>>, vector<256x64xbf16>
    %get3A_2 = arith.constant 0 : index
    %get3A_3 = arith.constant 0 : index
    %get3A_4 = vector.load %arg2[%get3A_2, %get3A_3] : memref<8192x64xbf16, #tpu.memory_space<vmem>>, vector<8192x64xbf16>
    %dot_general3A = arith.constant dense<0.000000e+00> : vector<256x8192xf32>
    %dot_general3A_5 = tpu.matmul %get3A_1, %get3A_4, %dot_general3A {dimension_numbers = #tpu.dot_dimension_numbers<[1], [1], [0], [0], [0, 0, 1, 0], [], []>, transpose_lhs_hint = false} : vector<256x64xbf16>, vector<8192x64xbf16>, vector<256x8192xf32> -> vector<256x8192xf32>
    %slice3A = vector.extract_strided_slice %dot_general3A_5 {offsets = [0, 0], sizes = [128, 8192], strides = [1, 1]} : vector<256x8192xf32> to vector<128x8192xf32>
    %slice3A_6 = vector.extract_strided_slice %slice3A {offsets = [0, 0], sizes = [128, 128], strides = [1, 1]} : vector<128x8192xf32> to vector<128x128xf32>
    %broadcast_in_dim3A = arith.constant 0 : i32
    %broadcast_in_dim3A_7 = vector.broadcast %broadcast_in_dim3A : i32 to vector<128x128xi32>
    %slice3A_8 = vector.extract_strided_slice %slice3A {offsets = [0, 128], sizes = [128, 128], strides = [1, 1]} : vector<128x8192xf32> to vector<128x128xf32>
    %gt3A = arith.cmpf ogt, %slice3A_8, %slice3A_6 : vector<128x128xf32>
    %select_n3A = arith.select %gt3A, %slice3A_8, %slice3A_6 : vector<128x128xi1>, vector<128x128xf32>
    %jit3A = arith.constant 1 : i32
    %broadcast_in_dim3A_9 = vector.broadcast %jit3A : i32 to vector<128x128xi32>
    %select_n3A_10 = arith.select %gt3A, %broadcast_in_dim3A_9, %broadcast_in_dim3A_7 : vector<128x128xi1>, vector<128x128xi32>
    %slice3A_11 = vector.extract_strided_slice %slice3A {offsets = [0, 256], sizes = [128, 128], strides = [1, 1]} : vector<128x8192xf32> to vector<128x128xf32>
    %gt3A_12 = arith.cmpf ogt, %slice3A_11, %select_n3A : vector<128x128xf32>
    %select_n3A_13 = arith.select %gt3A_12, %slice3A_11, %select_n3A : vector<128x128xi1>, vector<128x128xf32>
    %jit3A_14 = arith.constant 2 : i32
    %broadcast_in_dim3A_15 = vector.broadcast %jit3A_14 : i32 to vector<128x128xi32>
    %select_n3A_16 = arith.select %gt3A_12, %broadcast_in_dim3A_15, %select_n3A_10 : vector<128x128xi1>, vector<128x128xi32>
    %slice3A_17 = vector.extract_strided_slice %slice3A {offsets = [0, 384], sizes = [128, 128], strides = [1, 1]} : vector<128x8192xf32> to vector<128x128xf32>
    %gt3A_18 = arith.cmpf ogt, %slice3A_17, %select_n3A_13 : vector<128x128xf32>
    %select_n3A_19 = arith.select %gt3A_18, %slice3A_17, %select_n3A_13 : vector<128x128xi1>, vector<128x128xf32>
    %jit3A_20 = arith.constant 3 : i32
    %broadcast_in_dim3A_21 = vector.broadcast %jit3A_20 : i32 to vector<128x128xi32>
    %select_n3A_22 = arith.select %gt3A_18, %broadcast_in_dim3A_21, %select_n3A_16 : vector<128x128xi1>, vector<128x128xi32>
    %slice3A_23 = vector.extract_strided_slice %slice3A {offsets = [0, 512], sizes = [128, 128], strides = [1, 1]} : vector<128x8192xf32> to vector<128x128xf32>
    %gt3A_24 = arith.cmpf ogt, %slice3A_23, %select_n3A_19 : vector<128x128xf32>
    %select_n3A_25 = arith.select %gt3A_24, %slice3A_23, %select_n3A_19 : vector<128x128xi1>, vector<128x128xf32>
    %jit3A_26 = arith.constant 4 : i32
    %broadcast_in_dim3A_27 = vector.broadcast %jit3A_26 : i32 to vector<128x128xi32>
    %select_n3A_28 = arith.select %gt3A_24, %broadcast_in_dim3A_27, %select_n3A_22 : vector<128x128xi1>, vector<128x128xi32>
    %slice3A_29 = vector.extract_strided_slice %slice3A {offsets = [0, 640], sizes = [128, 128], strides = [1, 1]} : vector<128x8192xf32> to vector<128x128xf32>
    %gt3A_30 = arith.cmpf ogt, %slice3A_29, %select_n3A_25 : vector<128x128xf32>
    %select_n3A_31 = arith.select %gt3A_30, %slice3A_29, %select_n3A_25 : vector<128x128xi1>, vector<128x128xf32>
    %jit3A_32 = arith.constant 5 : i32
    %broadcast_in_dim3A_33 = vector.broadcast %jit3A_32 : i32 to vector<128x128xi32>
    %select_n3A_34 = arith.select %gt3A_30, %broadcast_in_dim3A_33, %select_n3A_28 : vector<128x128xi1>, vector<128x128xi32>
    %slice3A_35 = vector.extract_strided_slice %slice3A {offsets = [0, 768], sizes = [128, 128], strides = [1, 1]} : vector<128x8192xf32> to vector<128x128xf32>
    %gt3A_36 = arith.cmpf ogt, %slice3A_35, %select_n3A_31 : vector<128x128xf32>
    %select_n3A_37 = arith.select %gt3A_36, %slice3A_35, %select_n3A_31 : vector<128x128xi1>, vector<128x128xf32>
    %jit3A_38 = arith.constant 6 : i32
    %broadcast_in_dim3A_39 = vector.broadcast %jit3A_38 : i32 to vector<128x128xi32>
    %select_n3A_40 = arith.select %gt3A_36, %broadcast_in_dim3A_39, %select_n3A_34 : vector<128x128xi1>, vector<128x128xi32>
    %slice3A_41 = vector.extract_strided_slice %slice3A {offsets = [0, 896], sizes = [128, 128], strides = [1, 1]} : vector<128x8192xf32> to vector<128x128xf32>
    %gt3A_42 = arith.cmpf ogt, %slice3A_41, %select_n3A_37 : vector<128x128xf32>
    %select_n3A_43 = arith.select %gt3A_42, %slice3A_41, %select_n3A_37 : vector<128x128xi1>, vector<128x128xf32>
    %jit3A_44 = arith.constant 7 : i32
    %broadcast_in_dim3A_45 = vector.broadcast %jit3A_44 : i32 to vector<128x128xi32>
    %select_n3A_46 = arith.select %gt3A_42, %broadcast_in_dim3A_45, %select_n3A_40 : vector<128x128xi1>, vector<128x128xi32>
    %slice3A_47 = vector.extract_strided_slice %slice3A {offsets = [0, 1024], sizes = [128, 128], strides = [1, 1]} : vector<128x8192xf32> to vector<128x128xf32>
    %gt3A_48 = arith.cmpf ogt, %slice3A_47, %select_n3A_43 : vector<128x128xf32>
    %select_n3A_49 = arith.select %gt3A_48, %slice3A_47, %select_n3A_43 : vector<128x128xi1>, vector<128x128xf32>
    %jit3A_50 = arith.constant 8 : i32
    %broadcast_in_dim3A_51 = vector.broadcast %jit3A_50 : i32 to vector<128x128xi32>
    %select_n3A_52 = arith.select %gt3A_48, %broadcast_in_dim3A_51, %select_n3A_46 : vector<128x128xi1>, vector<128x128xi32>
    %slice3A_53 = vector.extract_strided_slice %slice3A {offsets = [0, 1152], sizes = [128, 128], strides = [1, 1]} : vector<128x8192xf32> to vector<128x128xf32>
    %gt3A_54 = arith.cmpf ogt, %slice3A_53, %select_n3A_49 : vector<128x128xf32>
    %select_n3A_55 = arith.select %gt3A_54, %slice3A_53, %select_n3A_49 : vector<128x128xi1>, vector<128x128xf32>
    %jit3A_56 = arith.constant 9 : i32
    %broadcast_in_dim3A_57 = vector.broadcast %jit3A_56 : i32 to vector<128x128xi32>
    %select_n3A_58 = arith.select %gt3A_54, %broadcast_in_dim3A_57, %select_n3A_52 : vector<128x128xi1>, vector<128x128xi32>
    %slice3A_59 = vector.extract_strided_slice %slice3A {offsets = [0, 1280], sizes = [128, 128], strides = [1, 1]} : vector<128x8192xf32> to vector<128x128xf32>
    %gt3A_60 = arith.cmpf ogt, %slice3A_59, %select_n3A_55 : vector<128x128xf32>
    %select_n3A_61 = arith.select %gt3A_60, %slice3A_59, %select_n3A_55 : vector<128x128xi1>, vector<128x128xf32>
    %jit3A_62 = arith.constant 10 : i32
    %broadcast_in_dim3A_63 = vector.broadcast %jit3A_62 : i32 to vector<128x128xi32>
    %select_n3A_64 = arith.select %gt3A_60, %broadcast_in_dim3A_63, %select_n3A_58 : vector<128x128xi1>, vector<128x128xi32>
    %slice3A_65 = vector.extract_strided_slice %slice3A {offsets = [0, 1408], sizes = [128, 128], strides = [1, 1]} : vector<128x8192xf32> to vector<128x128xf32>
    %gt3A_66 = arith.cmpf ogt, %slice3A_65, %select_n3A_61 : vector<128x128xf32>
    %select_n3A_67 = arith.select %gt3A_66, %slice3A_65, %select_n3A_61 : vector<128x128xi1>, vector<128x128xf32>
    %jit3A_68 = arith.constant 11 : i32
    %broadcast_in_dim3A_69 = vector.broadcast %jit3A_68 : i32 to vector<128x128xi32>
    %select_n3A_70 = arith.select %gt3A_66, %broadcast_in_dim3A_69, %select_n3A_64 : vector<128x128xi1>, vector<128x128xi32>
    %slice3A_71 = vector.extract_strided_slice %slice3A {offsets = [0, 1536], sizes = [128, 128], strides = [1, 1]} : vector<128x8192xf32> to vector<128x128xf32>
    %gt3A_72 = arith.cmpf ogt, %slice3A_71, %select_n3A_67 : vector<128x128xf32>
    %select_n3A_73 = arith.select %gt3A_72, %slice3A_71, %select_n3A_67 : vector<128x128xi1>, vector<128x128xf32>
    %jit3A_74 = arith.constant 12 : i32
    %broadcast_in_dim3A_75 = vector.broadcast %jit3A_74 : i32 to vector<128x128xi32>
    %select_n3A_76 = arith.select %gt3A_72, %broadcast_in_dim3A_75, %select_n3A_70 : vector<128x128xi1>, vector<128x128xi32>
    %slice3A_77 = vector.extract_strided_slice %slice3A {offsets = [0, 1664], sizes = [128, 128], strides = [1, 1]} : vector<128x8192xf32> to vector<128x128xf32>
    %gt3A_78 = arith.cmpf ogt, %slice3A_77, %select_n3A_73 : vector<128x128xf32>
    %select_n3A_79 = arith.select %gt3A_78, %slice3A_77, %select_n3A_73 : vector<128x128xi1>, vector<128x128xf32>
    %jit3A_80 = arith.constant 13 : i32
    %broadcast_in_dim3A_81 = vector.broadcast %jit3A_80 : i32 to vector<128x128xi32>
    %select_n3A_82 = arith.select %gt3A_78, %broadcast_in_dim3A_81, %select_n3A_76 : vector<128x128xi1>, vector<128x128xi32>
    %slice3A_83 = vector.extract_strided_slice %slice3A {offsets = [0, 1792], sizes = [128, 128], strides = [1, 1]} : vector<128x8192xf32> to vector<128x128xf32>
    %gt3A_84 = arith.cmpf ogt, %slice3A_83, %select_n3A_79 : vector<128x128xf32>
    %select_n3A_85 = arith.select %gt3A_84, %slice3A_83, %select_n3A_79 : vector<128x128xi1>, vector<128x128xf32>
    %jit3A_86 = arith.constant 14 : i32
    %broadcast_in_dim3A_87 = vector.broadcast %jit3A_86 : i32 to vector<128x128xi32>
    %select_n3A_88 = arith.select %gt3A_84, %broadcast_in_dim3A_87, %select_n3A_82 : vector<128x128xi1>, vector<128x128xi32>
    %slice3A_89 = vector.extract_strided_slice %slice3A {offsets = [0, 1920], sizes = [128, 128], strides = [1, 1]} : vector<128x8192xf32> to vector<128x128xf32>
    %gt3A_90 = arith.cmpf ogt, %slice3A_89, %select_n3A_85 : vector<128x128xf32>
    %select_n3A_91 = arith.select %gt3A_90, %slice3A_89, %select_n3A_85 : vector<128x128xi1>, vector<128x128xf32>
    %jit3A_92 = arith.constant 15 : i32
    %broadcast_in_dim3A_93 = vector.broadcast %jit3A_92 : i32 to vector<128x128xi32>
    %select_n3A_94 = arith.select %gt3A_90, %broadcast_in_dim3A_93, %select_n3A_88 : vector<128x128xi1>, vector<128x128xi32>
    %slice3A_95 = vector.extract_strided_slice %slice3A {offsets = [0, 2048], sizes = [128, 128], strides = [1, 1]} : vector<128x8192xf32> to vector<128x128xf32>
    %gt3A_96 = arith.cmpf ogt, %slice3A_95, %select_n3A_91 : vector<128x128xf32>
    %select_n3A_97 = arith.select %gt3A_96, %slice3A_95, %select_n3A_91 : vector<128x128xi1>, vector<128x128xf32>
    %jit3A_98 = arith.constant 16 : i32
    %broadcast_in_dim3A_99 = vector.broadcast %jit3A_98 : i32 to vector<128x128xi32>
    %select_n3A_100 = arith.select %gt3A_96, %broadcast_in_dim3A_99, %select_n3A_94 : vector<128x128xi1>, vector<128x128xi32>
    %slice3A_101 = vector.extract_strided_slice %slice3A {offsets = [0, 2176], sizes = [128, 128], strides = [1, 1]} : vector<128x8192xf32> to vector<128x128xf32>
    %gt3A_102 = arith.cmpf ogt, %slice3A_101, %select_n3A_97 : vector<128x128xf32>
    %select_n3A_103 = arith.select %gt3A_102, %slice3A_101, %select_n3A_97 : vector<128x128xi1>, vector<128x128xf32>
    %jit3A_104 = arith.constant 17 : i32
    %broadcast_in_dim3A_105 = vector.broadcast %jit3A_104 : i32 to vector<128x128xi32>
    %select_n3A_106 = arith.select %gt3A_102, %broadcast_in_dim3A_105, %select_n3A_100 : vector<128x128xi1>, vector<128x128xi32>
    %slice3A_107 = vector.extract_strided_slice %slice3A {offsets = [0, 2304], sizes = [128, 128], strides = [1, 1]} : vector<128x8192xf32> to vector<128x128xf32>
    %gt3A_108 = arith.cmpf ogt, %slice3A_107, %select_n3A_103 : vector<128x128xf32>
    %select_n3A_109 = arith.select %gt3A_108, %slice3A_107, %select_n3A_103 : vector<128x128xi1>, vector<128x128xf32>
    %jit3A_110 = arith.constant 18 : i32
    %broadcast_in_dim3A_111 = vector.broadcast %jit3A_110 : i32 to vector<128x128xi32>
    %select_n3A_112 = arith.select %gt3A_108, %broadcast_in_dim3A_111, %select_n3A_106 : vector<128x128xi1>, vector<128x128xi32>
    %slice3A_113 = vector.extract_strided_slice %slice3A {offsets = [0, 2432], sizes = [128, 128], strides = [1, 1]} : vector<128x8192xf32> to vector<128x128xf32>
    %gt3A_114 = arith.cmpf ogt, %slice3A_113, %select_n3A_109 : vector<128x128xf32>
    %select_n3A_115 = arith.select %gt3A_114, %slice3A_113, %select_n3A_109 : vector<128x128xi1>, vector<128x128xf32>
    %jit3A_116 = arith.constant 19 : i32
    %broadcast_in_dim3A_117 = vector.broadcast %jit3A_116 : i32 to vector<128x128xi32>
    %select_n3A_118 = arith.select %gt3A_114, %broadcast_in_dim3A_117, %select_n3A_112 : vector<128x128xi1>, vector<128x128xi32>
    %slice3A_119 = vector.extract_strided_slice %slice3A {offsets = [0, 2560], sizes = [128, 128], strides = [1, 1]} : vector<128x8192xf32> to vector<128x128xf32>
    %gt3A_120 = arith.cmpf ogt, %slice3A_119, %select_n3A_115 : vector<128x128xf32>
    %select_n3A_121 = arith.select %gt3A_120, %slice3A_119, %select_n3A_115 : vector<128x128xi1>, vector<128x128xf32>
    %jit3A_122 = arith.constant 20 : i32
    %broadcast_in_dim3A_123 = vector.broadcast %jit3A_122 : i32 to vector<128x128xi32>
    %select_n3A_124 = arith.select %gt3A_120, %broadcast_in_dim3A_123, %select_n3A_118 : vector<128x128xi1>, vector<128x128xi32>
    %slice3A_125 = vector.extract_strided_slice %slice3A {offsets = [0, 2688], sizes = [128, 128], strides = [1, 1]} : vector<128x8192xf32> to vector<128x128xf32>
    %gt3A_126 = arith.cmpf ogt, %slice3A_125, %select_n3A_121 : vector<128x128xf32>
    %select_n3A_127 = arith.select %gt3A_126, %slice3A_125, %select_n3A_121 : vector<128x128xi1>, vector<128x128xf32>
    %jit3A_128 = arith.constant 21 : i32
    %broadcast_in_dim3A_129 = vector.broadcast %jit3A_128 : i32 to vector<128x128xi32>
    %select_n3A_130 = arith.select %gt3A_126, %broadcast_in_dim3A_129, %select_n3A_124 : vector<128x128xi1>, vector<128x128xi32>
    %slice3A_131 = vector.extract_strided_slice %slice3A {offsets = [0, 2816], sizes = [128, 128], strides = [1, 1]} : vector<128x8192xf32> to vector<128x128xf32>
    %gt3A_132 = arith.cmpf ogt, %slice3A_131, %select_n3A_127 : vector<128x128xf32>
    %select_n3A_133 = arith.select %gt3A_132, %slice3A_131, %select_n3A_127 : vector<128x128xi1>, vector<128x128xf32>
    %jit3A_134 = arith.constant 22 : i32
    %broadcast_in_dim3A_135 = vector.broadcast %jit3A_134 : i32 to vector<128x128xi32>
    %select_n3A_136 = arith.select %gt3A_132, %broadcast_in_dim3A_135, %select_n3A_130 : vector<128x128xi1>, vector<128x128xi32>
    %slice3A_137 = vector.extract_strided_slice %slice3A {offsets = [0, 2944], sizes = [128, 128], strides = [1, 1]} : vector<128x8192xf32> to vector<128x128xf32>
    %gt3A_138 = arith.cmpf ogt, %slice3A_137, %select_n3A_133 : vector<128x128xf32>
    %select_n3A_139 = arith.select %gt3A_138, %slice3A_137, %select_n3A_133 : vector<128x128xi1>, vector<128x128xf32>
    %jit3A_140 = arith.constant 23 : i32
    %broadcast_in_dim3A_141 = vector.broadcast %jit3A_140 : i32 to vector<128x128xi32>
    %select_n3A_142 = arith.select %gt3A_138, %broadcast_in_dim3A_141, %select_n3A_136 : vector<128x128xi1>, vector<128x128xi32>
    %slice3A_143 = vector.extract_strided_slice %slice3A {offsets = [0, 3072], sizes = [128, 128], strides = [1, 1]} : vector<128x8192xf32> to vector<128x128xf32>
    %gt3A_144 = arith.cmpf ogt, %slice3A_143, %select_n3A_139 : vector<128x128xf32>
    %select_n3A_145 = arith.select %gt3A_144, %slice3A_143, %select_n3A_139 : vector<128x128xi1>, vector<128x128xf32>
    %jit3A_146 = arith.constant 24 : i32
    %broadcast_in_dim3A_147 = vector.broadcast %jit3A_146 : i32 to vector<128x128xi32>
    %select_n3A_148 = arith.select %gt3A_144, %broadcast_in_dim3A_147, %select_n3A_142 : vector<128x128xi1>, vector<128x128xi32>
    %slice3A_149 = vector.extract_strided_slice %slice3A {offsets = [0, 3200], sizes = [128, 128], strides = [1, 1]} : vector<128x8192xf32> to vector<128x128xf32>
    %gt3A_150 = arith.cmpf ogt, %slice3A_149, %select_n3A_145 : vector<128x128xf32>
    %select_n3A_151 = arith.select %gt3A_150, %slice3A_149, %select_n3A_145 : vector<128x128xi1>, vector<128x128xf32>
    %jit3A_152 = arith.constant 25 : i32
    %broadcast_in_dim3A_153 = vector.broadcast %jit3A_152 : i32 to vector<128x128xi32>
    %select_n3A_154 = arith.select %gt3A_150, %broadcast_in_dim3A_153, %select_n3A_148 : vector<128x128xi1>, vector<128x128xi32>
    %slice3A_155 = vector.extract_strided_slice %slice3A {offsets = [0, 3328], sizes = [128, 128], strides = [1, 1]} : vector<128x8192xf32> to vector<128x128xf32>
    %gt3A_156 = arith.cmpf ogt, %slice3A_155, %select_n3A_151 : vector<128x128xf32>
    %select_n3A_157 = arith.select %gt3A_156, %slice3A_155, %select_n3A_151 : vector<128x128xi1>, vector<128x128xf32>
    %jit3A_158 = arith.constant 26 : i32
    %broadcast_in_dim3A_159 = vector.broadcast %jit3A_158 : i32 to vector<128x128xi32>
    %select_n3A_160 = arith.select %gt3A_156, %broadcast_in_dim3A_159, %select_n3A_154 : vector<128x128xi1>, vector<128x128xi32>
    %slice3A_161 = vector.extract_strided_slice %slice3A {offsets = [0, 3456], sizes = [128, 128], strides = [1, 1]} : vector<128x8192xf32> to vector<128x128xf32>
    %gt3A_162 = arith.cmpf ogt, %slice3A_161, %select_n3A_157 : vector<128x128xf32>
    %select_n3A_163 = arith.select %gt3A_162, %slice3A_161, %select_n3A_157 : vector<128x128xi1>, vector<128x128xf32>
    %jit3A_164 = arith.constant 27 : i32
    %broadcast_in_dim3A_165 = vector.broadcast %jit3A_164 : i32 to vector<128x128xi32>
    %select_n3A_166 = arith.select %gt3A_162, %broadcast_in_dim3A_165, %select_n3A_160 : vector<128x128xi1>, vector<128x128xi32>
    %slice3A_167 = vector.extract_strided_slice %slice3A {offsets = [0, 3584], sizes = [128, 128], strides = [1, 1]} : vector<128x8192xf32> to vector<128x128xf32>
    %gt3A_168 = arith.cmpf ogt, %slice3A_167, %select_n3A_163 : vector<128x128xf32>
    %select_n3A_169 = arith.select %gt3A_168, %slice3A_167, %select_n3A_163 : vector<128x128xi1>, vector<128x128xf32>
    %jit3A_170 = arith.constant 28 : i32
    %broadcast_in_dim3A_171 = vector.broadcast %jit3A_170 : i32 to vector<128x128xi32>
    %select_n3A_172 = arith.select %gt3A_168, %broadcast_in_dim3A_171, %select_n3A_166 : vector<128x128xi1>, vector<128x128xi32>
    %slice3A_173 = vector.extract_strided_slice %slice3A {offsets = [0, 3712], sizes = [128, 128], strides = [1, 1]} : vector<128x8192xf32> to vector<128x128xf32>
    %gt3A_174 = arith.cmpf ogt, %slice3A_173, %select_n3A_169 : vector<128x128xf32>
    %select_n3A_175 = arith.select %gt3A_174, %slice3A_173, %select_n3A_169 : vector<128x128xi1>, vector<128x128xf32>
    %jit3A_176 = arith.constant 29 : i32
    %broadcast_in_dim3A_177 = vector.broadcast %jit3A_176 : i32 to vector<128x128xi32>
    %select_n3A_178 = arith.select %gt3A_174, %broadcast_in_dim3A_177, %select_n3A_172 : vector<128x128xi1>, vector<128x128xi32>
    %slice3A_179 = vector.extract_strided_slice %slice3A {offsets = [0, 3840], sizes = [128, 128], strides = [1, 1]} : vector<128x8192xf32> to vector<128x128xf32>
    %gt3A_180 = arith.cmpf ogt, %slice3A_179, %select_n3A_175 : vector<128x128xf32>
    %select_n3A_181 = arith.select %gt3A_180, %slice3A_179, %select_n3A_175 : vector<128x128xi1>, vector<128x128xf32>
    %jit3A_182 = arith.constant 30 : i32
    %broadcast_in_dim3A_183 = vector.broadcast %jit3A_182 : i32 to vector<128x128xi32>
    %select_n3A_184 = arith.select %gt3A_180, %broadcast_in_dim3A_183, %select_n3A_178 : vector<128x128xi1>, vector<128x128xi32>
    %slice3A_185 = vector.extract_strided_slice %slice3A {offsets = [0, 3968], sizes = [128, 128], strides = [1, 1]} : vector<128x8192xf32> to vector<128x128xf32>
    %gt3A_186 = arith.cmpf ogt, %slice3A_185, %select_n3A_181 : vector<128x128xf32>
    %select_n3A_187 = arith.select %gt3A_186, %slice3A_185, %select_n3A_181 : vector<128x128xi1>, vector<128x128xf32>
    %jit3A_188 = arith.constant 31 : i32
    %broadcast_in_dim3A_189 = vector.broadcast %jit3A_188 : i32 to vector<128x128xi32>
    %select_n3A_190 = arith.select %gt3A_186, %broadcast_in_dim3A_189, %select_n3A_184 : vector<128x128xi1>, vector<128x128xi32>
    %slice3A_191 = vector.extract_strided_slice %slice3A {offsets = [0, 4096], sizes = [128, 128], strides = [1, 1]} : vector<128x8192xf32> to vector<128x128xf32>
    %gt3A_192 = arith.cmpf ogt, %slice3A_191, %select_n3A_187 : vector<128x128xf32>
    %select_n3A_193 = arith.select %gt3A_192, %slice3A_191, %select_n3A_187 : vector<128x128xi1>, vector<128x128xf32>
    %jit3A_194 = arith.constant 32 : i32
    %broadcast_in_dim3A_195 = vector.broadcast %jit3A_194 : i32 to vector<128x128xi32>
    %select_n3A_196 = arith.select %gt3A_192, %broadcast_in_dim3A_195, %select_n3A_190 : vector<128x128xi1>, vector<128x128xi32>
    %slice3A_197 = vector.extract_strided_slice %slice3A {offsets = [0, 4224], sizes = [128, 128], strides = [1, 1]} : vector<128x8192xf32> to vector<128x128xf32>
    %gt3A_198 = arith.cmpf ogt, %slice3A_197, %select_n3A_193 : vector<128x128xf32>
    %select_n3A_199 = arith.select %gt3A_198, %slice3A_197, %select_n3A_193 : vector<128x128xi1>, vector<128x128xf32>
    %jit3A_200 = arith.constant 33 : i32
    %broadcast_in_dim3A_201 = vector.broadcast %jit3A_200 : i32 to vector<128x128xi32>
    %select_n3A_202 = arith.select %gt3A_198, %broadcast_in_dim3A_201, %select_n3A_196 : vector<128x128xi1>, vector<128x128xi32>
    %slice3A_203 = vector.extract_strided_slice %slice3A {offsets = [0, 4352], sizes = [128, 128], strides = [1, 1]} : vector<128x8192xf32> to vector<128x128xf32>
    %gt3A_204 = arith.cmpf ogt, %slice3A_203, %select_n3A_199 : vector<128x128xf32>
    %select_n3A_205 = arith.select %gt3A_204, %slice3A_203, %select_n3A_199 : vector<128x128xi1>, vector<128x128xf32>
    %jit3A_206 = arith.constant 34 : i32
    %broadcast_in_dim3A_207 = vector.broadcast %jit3A_206 : i32 to vector<128x128xi32>
    %select_n3A_208 = arith.select %gt3A_204, %broadcast_in_dim3A_207, %select_n3A_202 : vector<128x128xi1>, vector<128x128xi32>
    %slice3A_209 = vector.extract_strided_slice %slice3A {offsets = [0, 4480], sizes = [128, 128], strides = [1, 1]} : vector<128x8192xf32> to vector<128x128xf32>
    %gt3A_210 = arith.cmpf ogt, %slice3A_209, %select_n3A_205 : vector<128x128xf32>
    %select_n3A_211 = arith.select %gt3A_210, %slice3A_209, %select_n3A_205 : vector<128x128xi1>, vector<128x128xf32>
    %jit3A_212 = arith.constant 35 : i32
    %broadcast_in_dim3A_213 = vector.broadcast %jit3A_212 : i32 to vector<128x128xi32>
    %select_n3A_214 = arith.select %gt3A_210, %broadcast_in_dim3A_213, %select_n3A_208 : vector<128x128xi1>, vector<128x128xi32>
    %slice3A_215 = vector.extract_strided_slice %slice3A {offsets = [0, 4608], sizes = [128, 128], strides = [1, 1]} : vector<128x8192xf32> to vector<128x128xf32>
    %gt3A_216 = arith.cmpf ogt, %slice3A_215, %select_n3A_211 : vector<128x128xf32>
    %select_n3A_217 = arith.select %gt3A_216, %slice3A_215, %select_n3A_211 : vector<128x128xi1>, vector<128x128xf32>
    %jit3A_218 = arith.constant 36 : i32
    %broadcast_in_dim3A_219 = vector.broadcast %jit3A_218 : i32 to vector<128x128xi32>
    %select_n3A_220 = arith.select %gt3A_216, %broadcast_in_dim3A_219, %select_n3A_214 : vector<128x128xi1>, vector<128x128xi32>
    %slice3A_221 = vector.extract_strided_slice %slice3A {offsets = [0, 4736], sizes = [128, 128], strides = [1, 1]} : vector<128x8192xf32> to vector<128x128xf32>
    %gt3A_222 = arith.cmpf ogt, %slice3A_221, %select_n3A_217 : vector<128x128xf32>
    %select_n3A_223 = arith.select %gt3A_222, %slice3A_221, %select_n3A_217 : vector<128x128xi1>, vector<128x128xf32>
    %jit3A_224 = arith.constant 37 : i32
    %broadcast_in_dim3A_225 = vector.broadcast %jit3A_224 : i32 to vector<128x128xi32>
    %select_n3A_226 = arith.select %gt3A_222, %broadcast_in_dim3A_225, %select_n3A_220 : vector<128x128xi1>, vector<128x128xi32>
    %slice3A_227 = vector.extract_strided_slice %slice3A {offsets = [0, 4864], sizes = [128, 128], strides = [1, 1]} : vector<128x8192xf32> to vector<128x128xf32>
    %gt3A_228 = arith.cmpf ogt, %slice3A_227, %select_n3A_223 : vector<128x128xf32>
    %select_n3A_229 = arith.select %gt3A_228, %slice3A_227, %select_n3A_223 : vector<128x128xi1>, vector<128x128xf32>
    %jit3A_230 = arith.constant 38 : i32
    %broadcast_in_dim3A_231 = vector.broadcast %jit3A_230 : i32 to vector<128x128xi32>
    %select_n3A_232 = arith.select %gt3A_228, %broadcast_in_dim3A_231, %select_n3A_226 : vector<128x128xi1>, vector<128x128xi32>
    %slice3A_233 = vector.extract_strided_slice %slice3A {offsets = [0, 4992], sizes = [128, 128], strides = [1, 1]} : vector<128x8192xf32> to vector<128x128xf32>
    %gt3A_234 = arith.cmpf ogt, %slice3A_233, %select_n3A_229 : vector<128x128xf32>
    %select_n3A_235 = arith.select %gt3A_234, %slice3A_233, %select_n3A_229 : vector<128x128xi1>, vector<128x128xf32>
    %jit3A_236 = arith.constant 39 : i32
    %broadcast_in_dim3A_237 = vector.broadcast %jit3A_236 : i32 to vector<128x128xi32>
    %select_n3A_238 = arith.select %gt3A_234, %broadcast_in_dim3A_237, %select_n3A_232 : vector<128x128xi1>, vector<128x128xi32>
    %slice3A_239 = vector.extract_strided_slice %slice3A {offsets = [0, 5120], sizes = [128, 128], strides = [1, 1]} : vector<128x8192xf32> to vector<128x128xf32>
    %gt3A_240 = arith.cmpf ogt, %slice3A_239, %select_n3A_235 : vector<128x128xf32>
    %select_n3A_241 = arith.select %gt3A_240, %slice3A_239, %select_n3A_235 : vector<128x128xi1>, vector<128x128xf32>
    %jit3A_242 = arith.constant 40 : i32
    %broadcast_in_dim3A_243 = vector.broadcast %jit3A_242 : i32 to vector<128x128xi32>
    %select_n3A_244 = arith.select %gt3A_240, %broadcast_in_dim3A_243, %select_n3A_238 : vector<128x128xi1>, vector<128x128xi32>
    %slice3A_245 = vector.extract_strided_slice %slice3A {offsets = [0, 5248], sizes = [128, 128], strides = [1, 1]} : vector<128x8192xf32> to vector<128x128xf32>
    %gt3A_246 = arith.cmpf ogt, %slice3A_245, %select_n3A_241 : vector<128x128xf32>
    %select_n3A_247 = arith.select %gt3A_246, %slice3A_245, %select_n3A_241 : vector<128x128xi1>, vector<128x128xf32>
    %jit3A_248 = arith.constant 41 : i32
    %broadcast_in_dim3A_249 = vector.broadcast %jit3A_248 : i32 to vector<128x128xi32>
    %select_n3A_250 = arith.select %gt3A_246, %broadcast_in_dim3A_249, %select_n3A_244 : vector<128x128xi1>, vector<128x128xi32>
    %slice3A_251 = vector.extract_strided_slice %slice3A {offsets = [0, 5376], sizes = [128, 128], strides = [1, 1]} : vector<128x8192xf32> to vector<128x128xf32>
    %gt3A_252 = arith.cmpf ogt, %slice3A_251, %select_n3A_247 : vector<128x128xf32>
    %select_n3A_253 = arith.select %gt3A_252, %slice3A_251, %select_n3A_247 : vector<128x128xi1>, vector<128x128xf32>
    %jit3A_254 = arith.constant 42 : i32
    %broadcast_in_dim3A_255 = vector.broadcast %jit3A_254 : i32 to vector<128x128xi32>
    %select_n3A_256 = arith.select %gt3A_252, %broadcast_in_dim3A_255, %select_n3A_250 : vector<128x128xi1>, vector<128x128xi32>
    %slice3A_257 = vector.extract_strided_slice %slice3A {offsets = [0, 5504], sizes = [128, 128], strides = [1, 1]} : vector<128x8192xf32> to vector<128x128xf32>
    %gt3A_258 = arith.cmpf ogt, %slice3A_257, %select_n3A_253 : vector<128x128xf32>
    %select_n3A_259 = arith.select %gt3A_258, %slice3A_257, %select_n3A_253 : vector<128x128xi1>, vector<128x128xf32>
    %jit3A_260 = arith.constant 43 : i32
    %broadcast_in_dim3A_261 = vector.broadcast %jit3A_260 : i32 to vector<128x128xi32>
    %select_n3A_262 = arith.select %gt3A_258, %broadcast_in_dim3A_261, %select_n3A_256 : vector<128x128xi1>, vector<128x128xi32>
    %slice3A_263 = vector.extract_strided_slice %slice3A {offsets = [0, 5632], sizes = [128, 128], strides = [1, 1]} : vector<128x8192xf32> to vector<128x128xf32>
    %gt3A_264 = arith.cmpf ogt, %slice3A_263, %select_n3A_259 : vector<128x128xf32>
    %select_n3A_265 = arith.select %gt3A_264, %slice3A_263, %select_n3A_259 : vector<128x128xi1>, vector<128x128xf32>
    %jit3A_266 = arith.constant 44 : i32
    %broadcast_in_dim3A_267 = vector.broadcast %jit3A_266 : i32 to vector<128x128xi32>
    %select_n3A_268 = arith.select %gt3A_264, %broadcast_in_dim3A_267, %select_n3A_262 : vector<128x128xi1>, vector<128x128xi32>
    %slice3A_269 = vector.extract_strided_slice %slice3A {offsets = [0, 5760], sizes = [128, 128], strides = [1, 1]} : vector<128x8192xf32> to vector<128x128xf32>
    %gt3A_270 = arith.cmpf ogt, %slice3A_269, %select_n3A_265 : vector<128x128xf32>
    %select_n3A_271 = arith.select %gt3A_270, %slice3A_269, %select_n3A_265 : vector<128x128xi1>, vector<128x128xf32>
    %jit3A_272 = arith.constant 45 : i32
    %broadcast_in_dim3A_273 = vector.broadcast %jit3A_272 : i32 to vector<128x128xi32>
    %select_n3A_274 = arith.select %gt3A_270, %broadcast_in_dim3A_273, %select_n3A_268 : vector<128x128xi1>, vector<128x128xi32>
    %slice3A_275 = vector.extract_strided_slice %slice3A {offsets = [0, 5888], sizes = [128, 128], strides = [1, 1]} : vector<128x8192xf32> to vector<128x128xf32>
    %gt3A_276 = arith.cmpf ogt, %slice3A_275, %select_n3A_271 : vector<128x128xf32>
    %select_n3A_277 = arith.select %gt3A_276, %slice3A_275, %select_n3A_271 : vector<128x128xi1>, vector<128x128xf32>
    %jit3A_278 = arith.constant 46 : i32
    %broadcast_in_dim3A_279 = vector.broadcast %jit3A_278 : i32 to vector<128x128xi32>
    %select_n3A_280 = arith.select %gt3A_276, %broadcast_in_dim3A_279, %select_n3A_274 : vector<128x128xi1>, vector<128x128xi32>
    %slice3A_281 = vector.extract_strided_slice %slice3A {offsets = [0, 6016], sizes = [128, 128], strides = [1, 1]} : vector<128x8192xf32> to vector<128x128xf32>
    %gt3A_282 = arith.cmpf ogt, %slice3A_281, %select_n3A_277 : vector<128x128xf32>
    %select_n3A_283 = arith.select %gt3A_282, %slice3A_281, %select_n3A_277 : vector<128x128xi1>, vector<128x128xf32>
    %jit3A_284 = arith.constant 47 : i32
    %broadcast_in_dim3A_285 = vector.broadcast %jit3A_284 : i32 to vector<128x128xi32>
    %select_n3A_286 = arith.select %gt3A_282, %broadcast_in_dim3A_285, %select_n3A_280 : vector<128x128xi1>, vector<128x128xi32>
    %slice3A_287 = vector.extract_strided_slice %slice3A {offsets = [0, 6144], sizes = [128, 128], strides = [1, 1]} : vector<128x8192xf32> to vector<128x128xf32>
    %gt3A_288 = arith.cmpf ogt, %slice3A_287, %select_n3A_283 : vector<128x128xf32>
    %select_n3A_289 = arith.select %gt3A_288, %slice3A_287, %select_n3A_283 : vector<128x128xi1>, vector<128x128xf32>
    %jit3A_290 = arith.constant 48 : i32
    %broadcast_in_dim3A_291 = vector.broadcast %jit3A_290 : i32 to vector<128x128xi32>
    %select_n3A_292 = arith.select %gt3A_288, %broadcast_in_dim3A_291, %select_n3A_286 : vector<128x128xi1>, vector<128x128xi32>
    %slice3A_293 = vector.extract_strided_slice %slice3A {offsets = [0, 6272], sizes = [128, 128], strides = [1, 1]} : vector<128x8192xf32> to vector<128x128xf32>
    %gt3A_294 = arith.cmpf ogt, %slice3A_293, %select_n3A_289 : vector<128x128xf32>
    %select_n3A_295 = arith.select %gt3A_294, %slice3A_293, %select_n3A_289 : vector<128x128xi1>, vector<128x128xf32>
    %jit3A_296 = arith.constant 49 : i32
    %broadcast_in_dim3A_297 = vector.broadcast %jit3A_296 : i32 to vector<128x128xi32>
    %select_n3A_298 = arith.select %gt3A_294, %broadcast_in_dim3A_297, %select_n3A_292 : vector<128x128xi1>, vector<128x128xi32>
    %slice3A_299 = vector.extract_strided_slice %slice3A {offsets = [0, 6400], sizes = [128, 128], strides = [1, 1]} : vector<128x8192xf32> to vector<128x128xf32>
    %gt3A_300 = arith.cmpf ogt, %slice3A_299, %select_n3A_295 : vector<128x128xf32>
    %select_n3A_301 = arith.select %gt3A_300, %slice3A_299, %select_n3A_295 : vector<128x128xi1>, vector<128x128xf32>
    %jit3A_302 = arith.constant 50 : i32
    %broadcast_in_dim3A_303 = vector.broadcast %jit3A_302 : i32 to vector<128x128xi32>
    %select_n3A_304 = arith.select %gt3A_300, %broadcast_in_dim3A_303, %select_n3A_298 : vector<128x128xi1>, vector<128x128xi32>
    %slice3A_305 = vector.extract_strided_slice %slice3A {offsets = [0, 6528], sizes = [128, 128], strides = [1, 1]} : vector<128x8192xf32> to vector<128x128xf32>
    %gt3A_306 = arith.cmpf ogt, %slice3A_305, %select_n3A_301 : vector<128x128xf32>
    %select_n3A_307 = arith.select %gt3A_306, %slice3A_305, %select_n3A_301 : vector<128x128xi1>, vector<128x128xf32>
    %jit3A_308 = arith.constant 51 : i32
    %broadcast_in_dim3A_309 = vector.broadcast %jit3A_308 : i32 to vector<128x128xi32>
    %select_n3A_310 = arith.select %gt3A_306, %broadcast_in_dim3A_309, %select_n3A_304 : vector<128x128xi1>, vector<128x128xi32>
    %slice3A_311 = vector.extract_strided_slice %slice3A {offsets = [0, 6656], sizes = [128, 128], strides = [1, 1]} : vector<128x8192xf32> to vector<128x128xf32>
    %gt3A_312 = arith.cmpf ogt, %slice3A_311, %select_n3A_307 : vector<128x128xf32>
    %select_n3A_313 = arith.select %gt3A_312, %slice3A_311, %select_n3A_307 : vector<128x128xi1>, vector<128x128xf32>
    %jit3A_314 = arith.constant 52 : i32
    %broadcast_in_dim3A_315 = vector.broadcast %jit3A_314 : i32 to vector<128x128xi32>
    %select_n3A_316 = arith.select %gt3A_312, %broadcast_in_dim3A_315, %select_n3A_310 : vector<128x128xi1>, vector<128x128xi32>
    %slice3A_317 = vector.extract_strided_slice %slice3A {offsets = [0, 6784], sizes = [128, 128], strides = [1, 1]} : vector<128x8192xf32> to vector<128x128xf32>
    %gt3A_318 = arith.cmpf ogt, %slice3A_317, %select_n3A_313 : vector<128x128xf32>
    %select_n3A_319 = arith.select %gt3A_318, %slice3A_317, %select_n3A_313 : vector<128x128xi1>, vector<128x128xf32>
    %jit3A_320 = arith.constant 53 : i32
    %broadcast_in_dim3A_321 = vector.broadcast %jit3A_320 : i32 to vector<128x128xi32>
    %select_n3A_322 = arith.select %gt3A_318, %broadcast_in_dim3A_321, %select_n3A_316 : vector<128x128xi1>, vector<128x128xi32>
    %slice3A_323 = vector.extract_strided_slice %slice3A {offsets = [0, 6912], sizes = [128, 128], strides = [1, 1]} : vector<128x8192xf32> to vector<128x128xf32>
    %gt3A_324 = arith.cmpf ogt, %slice3A_323, %select_n3A_319 : vector<128x128xf32>
    %select_n3A_325 = arith.select %gt3A_324, %slice3A_323, %select_n3A_319 : vector<128x128xi1>, vector<128x128xf32>
    %jit3A_326 = arith.constant 54 : i32
    %broadcast_in_dim3A_327 = vector.broadcast %jit3A_326 : i32 to vector<128x128xi32>
    %select_n3A_328 = arith.select %gt3A_324, %broadcast_in_dim3A_327, %select_n3A_322 : vector<128x128xi1>, vector<128x128xi32>
    %slice3A_329 = vector.extract_strided_slice %slice3A {offsets = [0, 7040], sizes = [128, 128], strides = [1, 1]} : vector<128x8192xf32> to vector<128x128xf32>
    %gt3A_330 = arith.cmpf ogt, %slice3A_329, %select_n3A_325 : vector<128x128xf32>
    %select_n3A_331 = arith.select %gt3A_330, %slice3A_329, %select_n3A_325 : vector<128x128xi1>, vector<128x128xf32>
    %jit3A_332 = arith.constant 55 : i32
    %broadcast_in_dim3A_333 = vector.broadcast %jit3A_332 : i32 to vector<128x128xi32>
    %select_n3A_334 = arith.select %gt3A_330, %broadcast_in_dim3A_333, %select_n3A_328 : vector<128x128xi1>, vector<128x128xi32>
    %slice3A_335 = vector.extract_strided_slice %slice3A {offsets = [0, 7168], sizes = [128, 128], strides = [1, 1]} : vector<128x8192xf32> to vector<128x128xf32>
    %gt3A_336 = arith.cmpf ogt, %slice3A_335, %select_n3A_331 : vector<128x128xf32>
    %select_n3A_337 = arith.select %gt3A_336, %slice3A_335, %select_n3A_331 : vector<128x128xi1>, vector<128x128xf32>
    %jit3A_338 = arith.constant 56 : i32
    %broadcast_in_dim3A_339 = vector.broadcast %jit3A_338 : i32 to vector<128x128xi32>
    %select_n3A_340 = arith.select %gt3A_336, %broadcast_in_dim3A_339, %select_n3A_334 : vector<128x128xi1>, vector<128x128xi32>
    %slice3A_341 = vector.extract_strided_slice %slice3A {offsets = [0, 7296], sizes = [128, 128], strides = [1, 1]} : vector<128x8192xf32> to vector<128x128xf32>
    %gt3A_342 = arith.cmpf ogt, %slice3A_341, %select_n3A_337 : vector<128x128xf32>
    %select_n3A_343 = arith.select %gt3A_342, %slice3A_341, %select_n3A_337 : vector<128x128xi1>, vector<128x128xf32>
    %jit3A_344 = arith.constant 57 : i32
    %broadcast_in_dim3A_345 = vector.broadcast %jit3A_344 : i32 to vector<128x128xi32>
    %select_n3A_346 = arith.select %gt3A_342, %broadcast_in_dim3A_345, %select_n3A_340 : vector<128x128xi1>, vector<128x128xi32>
    %slice3A_347 = vector.extract_strided_slice %slice3A {offsets = [0, 7424], sizes = [128, 128], strides = [1, 1]} : vector<128x8192xf32> to vector<128x128xf32>
    %gt3A_348 = arith.cmpf ogt, %slice3A_347, %select_n3A_343 : vector<128x128xf32>
    %select_n3A_349 = arith.select %gt3A_348, %slice3A_347, %select_n3A_343 : vector<128x128xi1>, vector<128x128xf32>
    %jit3A_350 = arith.constant 58 : i32
    %broadcast_in_dim3A_351 = vector.broadcast %jit3A_350 : i32 to vector<128x128xi32>
    %select_n3A_352 = arith.select %gt3A_348, %broadcast_in_dim3A_351, %select_n3A_346 : vector<128x128xi1>, vector<128x128xi32>
    %slice3A_353 = vector.extract_strided_slice %slice3A {offsets = [0, 7552], sizes = [128, 128], strides = [1, 1]} : vector<128x8192xf32> to vector<128x128xf32>
    %gt3A_354 = arith.cmpf ogt, %slice3A_353, %select_n3A_349 : vector<128x128xf32>
    %select_n3A_355 = arith.select %gt3A_354, %slice3A_353, %select_n3A_349 : vector<128x128xi1>, vector<128x128xf32>
    %jit3A_356 = arith.constant 59 : i32
    %broadcast_in_dim3A_357 = vector.broadcast %jit3A_356 : i32 to vector<128x128xi32>
    %select_n3A_358 = arith.select %gt3A_354, %broadcast_in_dim3A_357, %select_n3A_352 : vector<128x128xi1>, vector<128x128xi32>
    %slice3A_359 = vector.extract_strided_slice %slice3A {offsets = [0, 7680], sizes = [128, 128], strides = [1, 1]} : vector<128x8192xf32> to vector<128x128xf32>
    %gt3A_360 = arith.cmpf ogt, %slice3A_359, %select_n3A_355 : vector<128x128xf32>
    %select_n3A_361 = arith.select %gt3A_360, %slice3A_359, %select_n3A_355 : vector<128x128xi1>, vector<128x128xf32>
    %jit3A_362 = arith.constant 60 : i32
    %broadcast_in_dim3A_363 = vector.broadcast %jit3A_362 : i32 to vector<128x128xi32>
    %select_n3A_364 = arith.select %gt3A_360, %broadcast_in_dim3A_363, %select_n3A_358 : vector<128x128xi1>, vector<128x128xi32>
    %slice3A_365 = vector.extract_strided_slice %slice3A {offsets = [0, 7808], sizes = [128, 128], strides = [1, 1]} : vector<128x8192xf32> to vector<128x128xf32>
    %gt3A_366 = arith.cmpf ogt, %slice3A_365, %select_n3A_361 : vector<128x128xf32>
    %select_n3A_367 = arith.select %gt3A_366, %slice3A_365, %select_n3A_361 : vector<128x128xi1>, vector<128x128xf32>
    %jit3A_368 = arith.constant 61 : i32
    %broadcast_in_dim3A_369 = vector.broadcast %jit3A_368 : i32 to vector<128x128xi32>
    %select_n3A_370 = arith.select %gt3A_366, %broadcast_in_dim3A_369, %select_n3A_364 : vector<128x128xi1>, vector<128x128xi32>
    %slice3A_371 = vector.extract_strided_slice %slice3A {offsets = [0, 7936], sizes = [128, 128], strides = [1, 1]} : vector<128x8192xf32> to vector<128x128xf32>
    %gt3A_372 = arith.cmpf ogt, %slice3A_371, %select_n3A_367 : vector<128x128xf32>
    %select_n3A_373 = arith.select %gt3A_372, %slice3A_371, %select_n3A_367 : vector<128x128xi1>, vector<128x128xf32>
    %jit3A_374 = arith.constant 62 : i32
    %broadcast_in_dim3A_375 = vector.broadcast %jit3A_374 : i32 to vector<128x128xi32>
    %select_n3A_376 = arith.select %gt3A_372, %broadcast_in_dim3A_375, %select_n3A_370 : vector<128x128xi1>, vector<128x128xi32>
    %slice3A_377 = vector.extract_strided_slice %slice3A {offsets = [0, 8064], sizes = [128, 128], strides = [1, 1]} : vector<128x8192xf32> to vector<128x128xf32>
    %gt3A_378 = arith.cmpf ogt, %slice3A_377, %select_n3A_373 : vector<128x128xf32>
    %select_n3A_379 = arith.select %gt3A_378, %slice3A_377, %select_n3A_373 : vector<128x128xi1>, vector<128x128xf32>
    %jit3A_380 = arith.constant 63 : i32
    %broadcast_in_dim3A_381 = vector.broadcast %jit3A_380 : i32 to vector<128x128xi32>
    %select_n3A_382 = arith.select %gt3A_378, %broadcast_in_dim3A_381, %select_n3A_376 : vector<128x128xi1>, vector<128x128xi32>
    %mul3A = arith.constant 128 : i32
    %mul3A_383 = vector.broadcast %mul3A : i32 to vector<128x128xi32>
    %mul3A_384 = arith.muli %select_n3A_382, %mul3A_383 : vector<128x128xi32>
    %iota3A = tpu.iota {dimensions = array<i32: 1>} : vector<128x128xi32>
    %add3A = arith.addi %mul3A_384, %iota3A : vector<128x128xi32>
    %reduce_max3A = arith.constant dense<0xFF800000> : vector<128xf32>
    %reduce_max3A_385 = vector.multi_reduction <maximumf>, %select_n3A_379, %reduce_max3A [1] : vector<128x128xf32> to vector<128xf32>
    %broadcast_in_dim3A_386 = vector.shape_cast %reduce_max3A_385 : vector<128xf32> to vector<128x1xf32>
    %eq3A = vector.broadcast %broadcast_in_dim3A_386 : vector<128x1xf32> to vector<128x128xf32>
    %eq3A_387 = arith.cmpf oeq, %select_n3A_379, %eq3A : vector<128x128xf32>
    %jit3A_388 = arith.constant 8192 : i32
    %broadcast_in_dim3A_389 = vector.broadcast %jit3A_388 : i32 to vector<128x128xi32>
    %select_n3A_390 = arith.select %eq3A_387, %add3A, %broadcast_in_dim3A_389 : vector<128x128xi1>, vector<128x128xi32>
    %reduce_min3A = arith.constant dense<2147483647> : vector<128xi32>
    %reduce_min3A_391 = vector.multi_reduction <minsi>, %select_n3A_390, %reduce_min3A [1] : vector<128x128xi32> to vector<128xi32>
    %slice3A_392 = vector.extract_strided_slice %dot_general3A_5 {offsets = [128, 0], sizes = [128, 8192], strides = [1, 1]} : vector<256x8192xf32> to vector<128x8192xf32>
    %slice3A_393 = vector.extract_strided_slice %slice3A_392 {offsets = [0, 0], sizes = [128, 128], strides = [1, 1]} : vector<128x8192xf32> to vector<128x128xf32>
    %broadcast_in_dim3A_394 = arith.constant 0 : i32
    %broadcast_in_dim3A_395 = vector.broadcast %broadcast_in_dim3A_394 : i32 to vector<128x128xi32>
    %slice3A_396 = vector.extract_strided_slice %slice3A_392 {offsets = [0, 128], sizes = [128, 128], strides = [1, 1]} : vector<128x8192xf32> to vector<128x128xf32>
    %gt3A_397 = arith.cmpf ogt, %slice3A_396, %slice3A_393 : vector<128x128xf32>
    %select_n3A_398 = arith.select %gt3A_397, %slice3A_396, %slice3A_393 : vector<128x128xi1>, vector<128x128xf32>
    %jit3A_399 = arith.constant 1 : i32
    %broadcast_in_dim3A_400 = vector.broadcast %jit3A_399 : i32 to vector<128x128xi32>
    %select_n3A_401 = arith.select %gt3A_397, %broadcast_in_dim3A_400, %broadcast_in_dim3A_395 : vector<128x128xi1>, vector<128x128xi32>
    %slice3A_402 = vector.extract_strided_slice %slice3A_392 {offsets = [0, 256], sizes = [128, 128], strides = [1, 1]} : vector<128x8192xf32> to vector<128x128xf32>
    %gt3A_403 = arith.cmpf ogt, %slice3A_402, %select_n3A_398 : vector<128x128xf32>
    %select_n3A_404 = arith.select %gt3A_403, %slice3A_402, %select_n3A_398 : vector<128x128xi1>, vector<128x128xf32>
    %jit3A_405 = arith.constant 2 : i32
    %broadcast_in_dim3A_406 = vector.broadcast %jit3A_405 : i32 to vector<128x128xi32>
    %select_n3A_407 = arith.select %gt3A_403, %broadcast_in_dim3A_406, %select_n3A_401 : vector<128x128xi1>, vector<128x128xi32>
    %slice3A_408 = vector.extract_strided_slice %slice3A_392 {offsets = [0, 384], sizes = [128, 128], strides = [1, 1]} : vector<128x8192xf32> to vector<128x128xf32>
    %gt3A_409 = arith.cmpf ogt, %slice3A_408, %select_n3A_404 : vector<128x128xf32>
    %select_n3A_410 = arith.select %gt3A_409, %slice3A_408, %select_n3A_404 : vector<128x128xi1>, vector<128x128xf32>
    %jit3A_411 = arith.constant 3 : i32
    %broadcast_in_dim3A_412 = vector.broadcast %jit3A_411 : i32 to vector<128x128xi32>
    %select_n3A_413 = arith.select %gt3A_409, %broadcast_in_dim3A_412, %select_n3A_407 : vector<128x128xi1>, vector<128x128xi32>
    %slice3A_414 = vector.extract_strided_slice %slice3A_392 {offsets = [0, 512], sizes = [128, 128], strides = [1, 1]} : vector<128x8192xf32> to vector<128x128xf32>
    %gt3A_415 = arith.cmpf ogt, %slice3A_414, %select_n3A_410 : vector<128x128xf32>
    %select_n3A_416 = arith.select %gt3A_415, %slice3A_414, %select_n3A_410 : vector<128x128xi1>, vector<128x128xf32>
    %jit3A_417 = arith.constant 4 : i32
    %broadcast_in_dim3A_418 = vector.broadcast %jit3A_417 : i32 to vector<128x128xi32>
    %select_n3A_419 = arith.select %gt3A_415, %broadcast_in_dim3A_418, %select_n3A_413 : vector<128x128xi1>, vector<128x128xi32>
    %slice3A_420 = vector.extract_strided_slice %slice3A_392 {offsets = [0, 640], sizes = [128, 128], strides = [1, 1]} : vector<128x8192xf32> to vector<128x128xf32>
    %gt3A_421 = arith.cmpf ogt, %slice3A_420, %select_n3A_416 : vector<128x128xf32>
    %select_n3A_422 = arith.select %gt3A_421, %slice3A_420, %select_n3A_416 : vector<128x128xi1>, vector<128x128xf32>
    %jit3A_423 = arith.constant 5 : i32
    %broadcast_in_dim3A_424 = vector.broadcast %jit3A_423 : i32 to vector<128x128xi32>
    %select_n3A_425 = arith.select %gt3A_421, %broadcast_in_dim3A_424, %select_n3A_419 : vector<128x128xi1>, vector<128x128xi32>
    %slice3A_426 = vector.extract_strided_slice %slice3A_392 {offsets = [0, 768], sizes = [128, 128], strides = [1, 1]} : vector<128x8192xf32> to vector<128x128xf32>
    %gt3A_427 = arith.cmpf ogt, %slice3A_426, %select_n3A_422 : vector<128x128xf32>
    %select_n3A_428 = arith.select %gt3A_427, %slice3A_426, %select_n3A_422 : vector<128x128xi1>, vector<128x128xf32>
    %jit3A_429 = arith.constant 6 : i32
    %broadcast_in_dim3A_430 = vector.broadcast %jit3A_429 : i32 to vector<128x128xi32>
    %select_n3A_431 = arith.select %gt3A_427, %broadcast_in_dim3A_430, %select_n3A_425 : vector<128x128xi1>, vector<128x128xi32>
    %slice3A_432 = vector.extract_strided_slice %slice3A_392 {offsets = [0, 896], sizes = [128, 128], strides = [1, 1]} : vector<128x8192xf32> to vector<128x128xf32>
    %gt3A_433 = arith.cmpf ogt, %slice3A_432, %select_n3A_428 : vector<128x128xf32>
    %select_n3A_434 = arith.select %gt3A_433, %slice3A_432, %select_n3A_428 : vector<128x128xi1>, vector<128x128xf32>
    %jit3A_435 = arith.constant 7 : i32
    %broadcast_in_dim3A_436 = vector.broadcast %jit3A_435 : i32 to vector<128x128xi32>
    %select_n3A_437 = arith.select %gt3A_433, %broadcast_in_dim3A_436, %select_n3A_431 : vector<128x128xi1>, vector<128x128xi32>
    %slice3A_438 = vector.extract_strided_slice %slice3A_392 {offsets = [0, 1024], sizes = [128, 128], strides = [1, 1]} : vector<128x8192xf32> to vector<128x128xf32>
    %gt3A_439 = arith.cmpf ogt, %slice3A_438, %select_n3A_434 : vector<128x128xf32>
    %select_n3A_440 = arith.select %gt3A_439, %slice3A_438, %select_n3A_434 : vector<128x128xi1>, vector<128x128xf32>
    %jit3A_441 = arith.constant 8 : i32
    %broadcast_in_dim3A_442 = vector.broadcast %jit3A_441 : i32 to vector<128x128xi32>
    %select_n3A_443 = arith.select %gt3A_439, %broadcast_in_dim3A_442, %select_n3A_437 : vector<128x128xi1>, vector<128x128xi32>
    %slice3A_444 = vector.extract_strided_slice %slice3A_392 {offsets = [0, 1152], sizes = [128, 128], strides = [1, 1]} : vector<128x8192xf32> to vector<128x128xf32>
    %gt3A_445 = arith.cmpf ogt, %slice3A_444, %select_n3A_440 : vector<128x128xf32>
    %select_n3A_446 = arith.select %gt3A_445, %slice3A_444, %select_n3A_440 : vector<128x128xi1>, vector<128x128xf32>
    %jit3A_447 = arith.constant 9 : i32
    %broadcast_in_dim3A_448 = vector.broadcast %jit3A_447 : i32 to vector<128x128xi32>
    %select_n3A_449 = arith.select %gt3A_445, %broadcast_in_dim3A_448, %select_n3A_443 : vector<128x128xi1>, vector<128x128xi32>
    %slice3A_450 = vector.extract_strided_slice %slice3A_392 {offsets = [0, 1280], sizes = [128, 128], strides = [1, 1]} : vector<128x8192xf32> to vector<128x128xf32>
    %gt3A_451 = arith.cmpf ogt, %slice3A_450, %select_n3A_446 : vector<128x128xf32>
    %select_n3A_452 = arith.select %gt3A_451, %slice3A_450, %select_n3A_446 : vector<128x128xi1>, vector<128x128xf32>
    %jit3A_453 = arith.constant 10 : i32
    %broadcast_in_dim3A_454 = vector.broadcast %jit3A_453 : i32 to vector<128x128xi32>
    %select_n3A_455 = arith.select %gt3A_451, %broadcast_in_dim3A_454, %select_n3A_449 : vector<128x128xi1>, vector<128x128xi32>
    %slice3A_456 = vector.extract_strided_slice %slice3A_392 {offsets = [0, 1408], sizes = [128, 128], strides = [1, 1]} : vector<128x8192xf32> to vector<128x128xf32>
    %gt3A_457 = arith.cmpf ogt, %slice3A_456, %select_n3A_452 : vector<128x128xf32>
    %select_n3A_458 = arith.select %gt3A_457, %slice3A_456, %select_n3A_452 : vector<128x128xi1>, vector<128x128xf32>
    %jit3A_459 = arith.constant 11 : i32
    %broadcast_in_dim3A_460 = vector.broadcast %jit3A_459 : i32 to vector<128x128xi32>
    %select_n3A_461 = arith.select %gt3A_457, %broadcast_in_dim3A_460, %select_n3A_455 : vector<128x128xi1>, vector<128x128xi32>
    %slice3A_462 = vector.extract_strided_slice %slice3A_392 {offsets = [0, 1536], sizes = [128, 128], strides = [1, 1]} : vector<128x8192xf32> to vector<128x128xf32>
    %gt3A_463 = arith.cmpf ogt, %slice3A_462, %select_n3A_458 : vector<128x128xf32>
    %select_n3A_464 = arith.select %gt3A_463, %slice3A_462, %select_n3A_458 : vector<128x128xi1>, vector<128x128xf32>
    %jit3A_465 = arith.constant 12 : i32
    %broadcast_in_dim3A_466 = vector.broadcast %jit3A_465 : i32 to vector<128x128xi32>
    %select_n3A_467 = arith.select %gt3A_463, %broadcast_in_dim3A_466, %select_n3A_461 : vector<128x128xi1>, vector<128x128xi32>
    %slice3A_468 = vector.extract_strided_slice %slice3A_392 {offsets = [0, 1664], sizes = [128, 128], strides = [1, 1]} : vector<128x8192xf32> to vector<128x128xf32>
    %gt3A_469 = arith.cmpf ogt, %slice3A_468, %select_n3A_464 : vector<128x128xf32>
    %select_n3A_470 = arith.select %gt3A_469, %slice3A_468, %select_n3A_464 : vector<128x128xi1>, vector<128x128xf32>
    %jit3A_471 = arith.constant 13 : i32
    %broadcast_in_dim3A_472 = vector.broadcast %jit3A_471 : i32 to vector<128x128xi32>
    %select_n3A_473 = arith.select %gt3A_469, %broadcast_in_dim3A_472, %select_n3A_467 : vector<128x128xi1>, vector<128x128xi32>
    %slice3A_474 = vector.extract_strided_slice %slice3A_392 {offsets = [0, 1792], sizes = [128, 128], strides = [1, 1]} : vector<128x8192xf32> to vector<128x128xf32>
    %gt3A_475 = arith.cmpf ogt, %slice3A_474, %select_n3A_470 : vector<128x128xf32>
    %select_n3A_476 = arith.select %gt3A_475, %slice3A_474, %select_n3A_470 : vector<128x128xi1>, vector<128x128xf32>
    %jit3A_477 = arith.constant 14 : i32
    %broadcast_in_dim3A_478 = vector.broadcast %jit3A_477 : i32 to vector<128x128xi32>
    %select_n3A_479 = arith.select %gt3A_475, %broadcast_in_dim3A_478, %select_n3A_473 : vector<128x128xi1>, vector<128x128xi32>
    %slice3A_480 = vector.extract_strided_slice %slice3A_392 {offsets = [0, 1920], sizes = [128, 128], strides = [1, 1]} : vector<128x8192xf32> to vector<128x128xf32>
    %gt3A_481 = arith.cmpf ogt, %slice3A_480, %select_n3A_476 : vector<128x128xf32>
    %select_n3A_482 = arith.select %gt3A_481, %slice3A_480, %select_n3A_476 : vector<128x128xi1>, vector<128x128xf32>
    %jit3A_483 = arith.constant 15 : i32
    %broadcast_in_dim3A_484 = vector.broadcast %jit3A_483 : i32 to vector<128x128xi32>
    %select_n3A_485 = arith.select %gt3A_481, %broadcast_in_dim3A_484, %select_n3A_479 : vector<128x128xi1>, vector<128x128xi32>
    %slice3A_486 = vector.extract_strided_slice %slice3A_392 {offsets = [0, 2048], sizes = [128, 128], strides = [1, 1]} : vector<128x8192xf32> to vector<128x128xf32>
    %gt3A_487 = arith.cmpf ogt, %slice3A_486, %select_n3A_482 : vector<128x128xf32>
    %select_n3A_488 = arith.select %gt3A_487, %slice3A_486, %select_n3A_482 : vector<128x128xi1>, vector<128x128xf32>
    %jit3A_489 = arith.constant 16 : i32
    %broadcast_in_dim3A_490 = vector.broadcast %jit3A_489 : i32 to vector<128x128xi32>
    %select_n3A_491 = arith.select %gt3A_487, %broadcast_in_dim3A_490, %select_n3A_485 : vector<128x128xi1>, vector<128x128xi32>
    %slice3A_492 = vector.extract_strided_slice %slice3A_392 {offsets = [0, 2176], sizes = [128, 128], strides = [1, 1]} : vector<128x8192xf32> to vector<128x128xf32>
    %gt3A_493 = arith.cmpf ogt, %slice3A_492, %select_n3A_488 : vector<128x128xf32>
    %select_n3A_494 = arith.select %gt3A_493, %slice3A_492, %select_n3A_488 : vector<128x128xi1>, vector<128x128xf32>
    %jit3A_495 = arith.constant 17 : i32
    %broadcast_in_dim3A_496 = vector.broadcast %jit3A_495 : i32 to vector<128x128xi32>
    %select_n3A_497 = arith.select %gt3A_493, %broadcast_in_dim3A_496, %select_n3A_491 : vector<128x128xi1>, vector<128x128xi32>
    %slice3A_498 = vector.extract_strided_slice %slice3A_392 {offsets = [0, 2304], sizes = [128, 128], strides = [1, 1]} : vector<128x8192xf32> to vector<128x128xf32>
    %gt3A_499 = arith.cmpf ogt, %slice3A_498, %select_n3A_494 : vector<128x128xf32>
    %select_n3A_500 = arith.select %gt3A_499, %slice3A_498, %select_n3A_494 : vector<128x128xi1>, vector<128x128xf32>
    %jit3A_501 = arith.constant 18 : i32
    %broadcast_in_dim3A_502 = vector.broadcast %jit3A_501 : i32 to vector<128x128xi32>
    %select_n3A_503 = arith.select %gt3A_499, %broadcast_in_dim3A_502, %select_n3A_497 : vector<128x128xi1>, vector<128x128xi32>
    %slice3A_504 = vector.extract_strided_slice %slice3A_392 {offsets = [0, 2432], sizes = [128, 128], strides = [1, 1]} : vector<128x8192xf32> to vector<128x128xf32>
    %gt3A_505 = arith.cmpf ogt, %slice3A_504, %select_n3A_500 : vector<128x128xf32>
    %select_n3A_506 = arith.select %gt3A_505, %slice3A_504, %select_n3A_500 : vector<128x128xi1>, vector<128x128xf32>
    %jit3A_507 = arith.constant 19 : i32
    %broadcast_in_dim3A_508 = vector.broadcast %jit3A_507 : i32 to vector<128x128xi32>
    %select_n3A_509 = arith.select %gt3A_505, %broadcast_in_dim3A_508, %select_n3A_503 : vector<128x128xi1>, vector<128x128xi32>
    %slice3A_510 = vector.extract_strided_slice %slice3A_392 {offsets = [0, 2560], sizes = [128, 128], strides = [1, 1]} : vector<128x8192xf32> to vector<128x128xf32>
    %gt3A_511 = arith.cmpf ogt, %slice3A_510, %select_n3A_506 : vector<128x128xf32>
    %select_n3A_512 = arith.select %gt3A_511, %slice3A_510, %select_n3A_506 : vector<128x128xi1>, vector<128x128xf32>
    %jit3A_513 = arith.constant 20 : i32
    %broadcast_in_dim3A_514 = vector.broadcast %jit3A_513 : i32 to vector<128x128xi32>
    %select_n3A_515 = arith.select %gt3A_511, %broadcast_in_dim3A_514, %select_n3A_509 : vector<128x128xi1>, vector<128x128xi32>
    %slice3A_516 = vector.extract_strided_slice %slice3A_392 {offsets = [0, 2688], sizes = [128, 128], strides = [1, 1]} : vector<128x8192xf32> to vector<128x128xf32>
    %gt3A_517 = arith.cmpf ogt, %slice3A_516, %select_n3A_512 : vector<128x128xf32>
    %select_n3A_518 = arith.select %gt3A_517, %slice3A_516, %select_n3A_512 : vector<128x128xi1>, vector<128x128xf32>
    %jit3A_519 = arith.constant 21 : i32
    %broadcast_in_dim3A_520 = vector.broadcast %jit3A_519 : i32 to vector<128x128xi32>
    %select_n3A_521 = arith.select %gt3A_517, %broadcast_in_dim3A_520, %select_n3A_515 : vector<128x128xi1>, vector<128x128xi32>
    %slice3A_522 = vector.extract_strided_slice %slice3A_392 {offsets = [0, 2816], sizes = [128, 128], strides = [1, 1]} : vector<128x8192xf32> to vector<128x128xf32>
    %gt3A_523 = arith.cmpf ogt, %slice3A_522, %select_n3A_518 : vector<128x128xf32>
    %select_n3A_524 = arith.select %gt3A_523, %slice3A_522, %select_n3A_518 : vector<128x128xi1>, vector<128x128xf32>
    %jit3A_525 = arith.constant 22 : i32
    %broadcast_in_dim3A_526 = vector.broadcast %jit3A_525 : i32 to vector<128x128xi32>
    %select_n3A_527 = arith.select %gt3A_523, %broadcast_in_dim3A_526, %select_n3A_521 : vector<128x128xi1>, vector<128x128xi32>
    %slice3A_528 = vector.extract_strided_slice %slice3A_392 {offsets = [0, 2944], sizes = [128, 128], strides = [1, 1]} : vector<128x8192xf32> to vector<128x128xf32>
    %gt3A_529 = arith.cmpf ogt, %slice3A_528, %select_n3A_524 : vector<128x128xf32>
    %select_n3A_530 = arith.select %gt3A_529, %slice3A_528, %select_n3A_524 : vector<128x128xi1>, vector<128x128xf32>
    %jit3A_531 = arith.constant 23 : i32
    %broadcast_in_dim3A_532 = vector.broadcast %jit3A_531 : i32 to vector<128x128xi32>
    %select_n3A_533 = arith.select %gt3A_529, %broadcast_in_dim3A_532, %select_n3A_527 : vector<128x128xi1>, vector<128x128xi32>
    %slice3A_534 = vector.extract_strided_slice %slice3A_392 {offsets = [0, 3072], sizes = [128, 128], strides = [1, 1]} : vector<128x8192xf32> to vector<128x128xf32>
    %gt3A_535 = arith.cmpf ogt, %slice3A_534, %select_n3A_530 : vector<128x128xf32>
    %select_n3A_536 = arith.select %gt3A_535, %slice3A_534, %select_n3A_530 : vector<128x128xi1>, vector<128x128xf32>
    %jit3A_537 = arith.constant 24 : i32
    %broadcast_in_dim3A_538 = vector.broadcast %jit3A_537 : i32 to vector<128x128xi32>
    %select_n3A_539 = arith.select %gt3A_535, %broadcast_in_dim3A_538, %select_n3A_533 : vector<128x128xi1>, vector<128x128xi32>
    %slice3A_540 = vector.extract_strided_slice %slice3A_392 {offsets = [0, 3200], sizes = [128, 128], strides = [1, 1]} : vector<128x8192xf32> to vector<128x128xf32>
    %gt3A_541 = arith.cmpf ogt, %slice3A_540, %select_n3A_536 : vector<128x128xf32>
    %select_n3A_542 = arith.select %gt3A_541, %slice3A_540, %select_n3A_536 : vector<128x128xi1>, vector<128x128xf32>
    %jit3A_543 = arith.constant 25 : i32
    %broadcast_in_dim3A_544 = vector.broadcast %jit3A_543 : i32 to vector<128x128xi32>
    %select_n3A_545 = arith.select %gt3A_541, %broadcast_in_dim3A_544, %select_n3A_539 : vector<128x128xi1>, vector<128x128xi32>
    %slice3A_546 = vector.extract_strided_slice %slice3A_392 {offsets = [0, 3328], sizes = [128, 128], strides = [1, 1]} : vector<128x8192xf32> to vector<128x128xf32>
    %gt3A_547 = arith.cmpf ogt, %slice3A_546, %select_n3A_542 : vector<128x128xf32>
    %select_n3A_548 = arith.select %gt3A_547, %slice3A_546, %select_n3A_542 : vector<128x128xi1>, vector<128x128xf32>
    %jit3A_549 = arith.constant 26 : i32
    %broadcast_in_dim3A_550 = vector.broadcast %jit3A_549 : i32 to vector<128x128xi32>
    %select_n3A_551 = arith.select %gt3A_547, %broadcast_in_dim3A_550, %select_n3A_545 : vector<128x128xi1>, vector<128x128xi32>
    %slice3A_552 = vector.extract_strided_slice %slice3A_392 {offsets = [0, 3456], sizes = [128, 128], strides = [1, 1]} : vector<128x8192xf32> to vector<128x128xf32>
    %gt3A_553 = arith.cmpf ogt, %slice3A_552, %select_n3A_548 : vector<128x128xf32>
    %select_n3A_554 = arith.select %gt3A_553, %slice3A_552, %select_n3A_548 : vector<128x128xi1>, vector<128x128xf32>
    %jit3A_555 = arith.constant 27 : i32
    %broadcast_in_dim3A_556 = vector.broadcast %jit3A_555 : i32 to vector<128x128xi32>
    %select_n3A_557 = arith.select %gt3A_553, %broadcast_in_dim3A_556, %select_n3A_551 : vector<128x128xi1>, vector<128x128xi32>
    %slice3A_558 = vector.extract_strided_slice %slice3A_392 {offsets = [0, 3584], sizes = [128, 128], strides = [1, 1]} : vector<128x8192xf32> to vector<128x128xf32>
    %gt3A_559 = arith.cmpf ogt, %slice3A_558, %select_n3A_554 : vector<128x128xf32>
    %select_n3A_560 = arith.select %gt3A_559, %slice3A_558, %select_n3A_554 : vector<128x128xi1>, vector<128x128xf32>
    %jit3A_561 = arith.constant 28 : i32
    %broadcast_in_dim3A_562 = vector.broadcast %jit3A_561 : i32 to vector<128x128xi32>
    %select_n3A_563 = arith.select %gt3A_559, %broadcast_in_dim3A_562, %select_n3A_557 : vector<128x128xi1>, vector<128x128xi32>
    %slice3A_564 = vector.extract_strided_slice %slice3A_392 {offsets = [0, 3712], sizes = [128, 128], strides = [1, 1]} : vector<128x8192xf32> to vector<128x128xf32>
    %gt3A_565 = arith.cmpf ogt, %slice3A_564, %select_n3A_560 : vector<128x128xf32>
    %select_n3A_566 = arith.select %gt3A_565, %slice3A_564, %select_n3A_560 : vector<128x128xi1>, vector<128x128xf32>
    %jit3A_567 = arith.constant 29 : i32
    %broadcast_in_dim3A_568 = vector.broadcast %jit3A_567 : i32 to vector<128x128xi32>
    %select_n3A_569 = arith.select %gt3A_565, %broadcast_in_dim3A_568, %select_n3A_563 : vector<128x128xi1>, vector<128x128xi32>
    %slice3A_570 = vector.extract_strided_slice %slice3A_392 {offsets = [0, 3840], sizes = [128, 128], strides = [1, 1]} : vector<128x8192xf32> to vector<128x128xf32>
    %gt3A_571 = arith.cmpf ogt, %slice3A_570, %select_n3A_566 : vector<128x128xf32>
    %select_n3A_572 = arith.select %gt3A_571, %slice3A_570, %select_n3A_566 : vector<128x128xi1>, vector<128x128xf32>
    %jit3A_573 = arith.constant 30 : i32
    %broadcast_in_dim3A_574 = vector.broadcast %jit3A_573 : i32 to vector<128x128xi32>
    %select_n3A_575 = arith.select %gt3A_571, %broadcast_in_dim3A_574, %select_n3A_569 : vector<128x128xi1>, vector<128x128xi32>
    %slice3A_576 = vector.extract_strided_slice %slice3A_392 {offsets = [0, 3968], sizes = [128, 128], strides = [1, 1]} : vector<128x8192xf32> to vector<128x128xf32>
    %gt3A_577 = arith.cmpf ogt, %slice3A_576, %select_n3A_572 : vector<128x128xf32>
    %select_n3A_578 = arith.select %gt3A_577, %slice3A_576, %select_n3A_572 : vector<128x128xi1>, vector<128x128xf32>
    %jit3A_579 = arith.constant 31 : i32
    %broadcast_in_dim3A_580 = vector.broadcast %jit3A_579 : i32 to vector<128x128xi32>
    %select_n3A_581 = arith.select %gt3A_577, %broadcast_in_dim3A_580, %select_n3A_575 : vector<128x128xi1>, vector<128x128xi32>
    %slice3A_582 = vector.extract_strided_slice %slice3A_392 {offsets = [0, 4096], sizes = [128, 128], strides = [1, 1]} : vector<128x8192xf32> to vector<128x128xf32>
    %gt3A_583 = arith.cmpf ogt, %slice3A_582, %select_n3A_578 : vector<128x128xf32>
    %select_n3A_584 = arith.select %gt3A_583, %slice3A_582, %select_n3A_578 : vector<128x128xi1>, vector<128x128xf32>
    %jit3A_585 = arith.constant 32 : i32
    %broadcast_in_dim3A_586 = vector.broadcast %jit3A_585 : i32 to vector<128x128xi32>
    %select_n3A_587 = arith.select %gt3A_583, %broadcast_in_dim3A_586, %select_n3A_581 : vector<128x128xi1>, vector<128x128xi32>
    %slice3A_588 = vector.extract_strided_slice %slice3A_392 {offsets = [0, 4224], sizes = [128, 128], strides = [1, 1]} : vector<128x8192xf32> to vector<128x128xf32>
    %gt3A_589 = arith.cmpf ogt, %slice3A_588, %select_n3A_584 : vector<128x128xf32>
    %select_n3A_590 = arith.select %gt3A_589, %slice3A_588, %select_n3A_584 : vector<128x128xi1>, vector<128x128xf32>
    %jit3A_591 = arith.constant 33 : i32
    %broadcast_in_dim3A_592 = vector.broadcast %jit3A_591 : i32 to vector<128x128xi32>
    %select_n3A_593 = arith.select %gt3A_589, %broadcast_in_dim3A_592, %select_n3A_587 : vector<128x128xi1>, vector<128x128xi32>
    %slice3A_594 = vector.extract_strided_slice %slice3A_392 {offsets = [0, 4352], sizes = [128, 128], strides = [1, 1]} : vector<128x8192xf32> to vector<128x128xf32>
    %gt3A_595 = arith.cmpf ogt, %slice3A_594, %select_n3A_590 : vector<128x128xf32>
    %select_n3A_596 = arith.select %gt3A_595, %slice3A_594, %select_n3A_590 : vector<128x128xi1>, vector<128x128xf32>
    %jit3A_597 = arith.constant 34 : i32
    %broadcast_in_dim3A_598 = vector.broadcast %jit3A_597 : i32 to vector<128x128xi32>
    %select_n3A_599 = arith.select %gt3A_595, %broadcast_in_dim3A_598, %select_n3A_593 : vector<128x128xi1>, vector<128x128xi32>
    %slice3A_600 = vector.extract_strided_slice %slice3A_392 {offsets = [0, 4480], sizes = [128, 128], strides = [1, 1]} : vector<128x8192xf32> to vector<128x128xf32>
    %gt3A_601 = arith.cmpf ogt, %slice3A_600, %select_n3A_596 : vector<128x128xf32>
    %select_n3A_602 = arith.select %gt3A_601, %slice3A_600, %select_n3A_596 : vector<128x128xi1>, vector<128x128xf32>
    %jit3A_603 = arith.constant 35 : i32
    %broadcast_in_dim3A_604 = vector.broadcast %jit3A_603 : i32 to vector<128x128xi32>
    %select_n3A_605 = arith.select %gt3A_601, %broadcast_in_dim3A_604, %select_n3A_599 : vector<128x128xi1>, vector<128x128xi32>
    %slice3A_606 = vector.extract_strided_slice %slice3A_392 {offsets = [0, 4608], sizes = [128, 128], strides = [1, 1]} : vector<128x8192xf32> to vector<128x128xf32>
    %gt3A_607 = arith.cmpf ogt, %slice3A_606, %select_n3A_602 : vector<128x128xf32>
    %select_n3A_608 = arith.select %gt3A_607, %slice3A_606, %select_n3A_602 : vector<128x128xi1>, vector<128x128xf32>
    %jit3A_609 = arith.constant 36 : i32
    %broadcast_in_dim3A_610 = vector.broadcast %jit3A_609 : i32 to vector<128x128xi32>
    %select_n3A_611 = arith.select %gt3A_607, %broadcast_in_dim3A_610, %select_n3A_605 : vector<128x128xi1>, vector<128x128xi32>
    %slice3A_612 = vector.extract_strided_slice %slice3A_392 {offsets = [0, 4736], sizes = [128, 128], strides = [1, 1]} : vector<128x8192xf32> to vector<128x128xf32>
    %gt3A_613 = arith.cmpf ogt, %slice3A_612, %select_n3A_608 : vector<128x128xf32>
    %select_n3A_614 = arith.select %gt3A_613, %slice3A_612, %select_n3A_608 : vector<128x128xi1>, vector<128x128xf32>
    %jit3A_615 = arith.constant 37 : i32
    %broadcast_in_dim3A_616 = vector.broadcast %jit3A_615 : i32 to vector<128x128xi32>
    %select_n3A_617 = arith.select %gt3A_613, %broadcast_in_dim3A_616, %select_n3A_611 : vector<128x128xi1>, vector<128x128xi32>
    %slice3A_618 = vector.extract_strided_slice %slice3A_392 {offsets = [0, 4864], sizes = [128, 128], strides = [1, 1]} : vector<128x8192xf32> to vector<128x128xf32>
    %gt3A_619 = arith.cmpf ogt, %slice3A_618, %select_n3A_614 : vector<128x128xf32>
    %select_n3A_620 = arith.select %gt3A_619, %slice3A_618, %select_n3A_614 : vector<128x128xi1>, vector<128x128xf32>
    %jit3A_621 = arith.constant 38 : i32
    %broadcast_in_dim3A_622 = vector.broadcast %jit3A_621 : i32 to vector<128x128xi32>
    %select_n3A_623 = arith.select %gt3A_619, %broadcast_in_dim3A_622, %select_n3A_617 : vector<128x128xi1>, vector<128x128xi32>
    %slice3A_624 = vector.extract_strided_slice %slice3A_392 {offsets = [0, 4992], sizes = [128, 128], strides = [1, 1]} : vector<128x8192xf32> to vector<128x128xf32>
    %gt3A_625 = arith.cmpf ogt, %slice3A_624, %select_n3A_620 : vector<128x128xf32>
    %select_n3A_626 = arith.select %gt3A_625, %slice3A_624, %select_n3A_620 : vector<128x128xi1>, vector<128x128xf32>
    %jit3A_627 = arith.constant 39 : i32
    %broadcast_in_dim3A_628 = vector.broadcast %jit3A_627 : i32 to vector<128x128xi32>
    %select_n3A_629 = arith.select %gt3A_625, %broadcast_in_dim3A_628, %select_n3A_623 : vector<128x128xi1>, vector<128x128xi32>
    %slice3A_630 = vector.extract_strided_slice %slice3A_392 {offsets = [0, 5120], sizes = [128, 128], strides = [1, 1]} : vector<128x8192xf32> to vector<128x128xf32>
    %gt3A_631 = arith.cmpf ogt, %slice3A_630, %select_n3A_626 : vector<128x128xf32>
    %select_n3A_632 = arith.select %gt3A_631, %slice3A_630, %select_n3A_626 : vector<128x128xi1>, vector<128x128xf32>
    %jit3A_633 = arith.constant 40 : i32
    %broadcast_in_dim3A_634 = vector.broadcast %jit3A_633 : i32 to vector<128x128xi32>
    %select_n3A_635 = arith.select %gt3A_631, %broadcast_in_dim3A_634, %select_n3A_629 : vector<128x128xi1>, vector<128x128xi32>
    %slice3A_636 = vector.extract_strided_slice %slice3A_392 {offsets = [0, 5248], sizes = [128, 128], strides = [1, 1]} : vector<128x8192xf32> to vector<128x128xf32>
    %gt3A_637 = arith.cmpf ogt, %slice3A_636, %select_n3A_632 : vector<128x128xf32>
    %select_n3A_638 = arith.select %gt3A_637, %slice3A_636, %select_n3A_632 : vector<128x128xi1>, vector<128x128xf32>
    %jit3A_639 = arith.constant 41 : i32
    %broadcast_in_dim3A_640 = vector.broadcast %jit3A_639 : i32 to vector<128x128xi32>
    %select_n3A_641 = arith.select %gt3A_637, %broadcast_in_dim3A_640, %select_n3A_635 : vector<128x128xi1>, vector<128x128xi32>
    %slice3A_642 = vector.extract_strided_slice %slice3A_392 {offsets = [0, 5376], sizes = [128, 128], strides = [1, 1]} : vector<128x8192xf32> to vector<128x128xf32>
    %gt3A_643 = arith.cmpf ogt, %slice3A_642, %select_n3A_638 : vector<128x128xf32>
    %select_n3A_644 = arith.select %gt3A_643, %slice3A_642, %select_n3A_638 : vector<128x128xi1>, vector<128x128xf32>
    %jit3A_645 = arith.constant 42 : i32
    %broadcast_in_dim3A_646 = vector.broadcast %jit3A_645 : i32 to vector<128x128xi32>
    %select_n3A_647 = arith.select %gt3A_643, %broadcast_in_dim3A_646, %select_n3A_641 : vector<128x128xi1>, vector<128x128xi32>
    %slice3A_648 = vector.extract_strided_slice %slice3A_392 {offsets = [0, 5504], sizes = [128, 128], strides = [1, 1]} : vector<128x8192xf32> to vector<128x128xf32>
    %gt3A_649 = arith.cmpf ogt, %slice3A_648, %select_n3A_644 : vector<128x128xf32>
    %select_n3A_650 = arith.select %gt3A_649, %slice3A_648, %select_n3A_644 : vector<128x128xi1>, vector<128x128xf32>
    %jit3A_651 = arith.constant 43 : i32
    %broadcast_in_dim3A_652 = vector.broadcast %jit3A_651 : i32 to vector<128x128xi32>
    %select_n3A_653 = arith.select %gt3A_649, %broadcast_in_dim3A_652, %select_n3A_647 : vector<128x128xi1>, vector<128x128xi32>
    %slice3A_654 = vector.extract_strided_slice %slice3A_392 {offsets = [0, 5632], sizes = [128, 128], strides = [1, 1]} : vector<128x8192xf32> to vector<128x128xf32>
    %gt3A_655 = arith.cmpf ogt, %slice3A_654, %select_n3A_650 : vector<128x128xf32>
    %select_n3A_656 = arith.select %gt3A_655, %slice3A_654, %select_n3A_650 : vector<128x128xi1>, vector<128x128xf32>
    %jit3A_657 = arith.constant 44 : i32
    %broadcast_in_dim3A_658 = vector.broadcast %jit3A_657 : i32 to vector<128x128xi32>
    %select_n3A_659 = arith.select %gt3A_655, %broadcast_in_dim3A_658, %select_n3A_653 : vector<128x128xi1>, vector<128x128xi32>
    %slice3A_660 = vector.extract_strided_slice %slice3A_392 {offsets = [0, 5760], sizes = [128, 128], strides = [1, 1]} : vector<128x8192xf32> to vector<128x128xf32>
    %gt3A_661 = arith.cmpf ogt, %slice3A_660, %select_n3A_656 : vector<128x128xf32>
    %select_n3A_662 = arith.select %gt3A_661, %slice3A_660, %select_n3A_656 : vector<128x128xi1>, vector<128x128xf32>
    %jit3A_663 = arith.constant 45 : i32
    %broadcast_in_dim3A_664 = vector.broadcast %jit3A_663 : i32 to vector<128x128xi32>
    %select_n3A_665 = arith.select %gt3A_661, %broadcast_in_dim3A_664, %select_n3A_659 : vector<128x128xi1>, vector<128x128xi32>
    %slice3A_666 = vector.extract_strided_slice %slice3A_392 {offsets = [0, 5888], sizes = [128, 128], strides = [1, 1]} : vector<128x8192xf32> to vector<128x128xf32>
    %gt3A_667 = arith.cmpf ogt, %slice3A_666, %select_n3A_662 : vector<128x128xf32>
    %select_n3A_668 = arith.select %gt3A_667, %slice3A_666, %select_n3A_662 : vector<128x128xi1>, vector<128x128xf32>
    %jit3A_669 = arith.constant 46 : i32
    %broadcast_in_dim3A_670 = vector.broadcast %jit3A_669 : i32 to vector<128x128xi32>
    %select_n3A_671 = arith.select %gt3A_667, %broadcast_in_dim3A_670, %select_n3A_665 : vector<128x128xi1>, vector<128x128xi32>
    %slice3A_672 = vector.extract_strided_slice %slice3A_392 {offsets = [0, 6016], sizes = [128, 128], strides = [1, 1]} : vector<128x8192xf32> to vector<128x128xf32>
    %gt3A_673 = arith.cmpf ogt, %slice3A_672, %select_n3A_668 : vector<128x128xf32>
    %select_n3A_674 = arith.select %gt3A_673, %slice3A_672, %select_n3A_668 : vector<128x128xi1>, vector<128x128xf32>
    %jit3A_675 = arith.constant 47 : i32
    %broadcast_in_dim3A_676 = vector.broadcast %jit3A_675 : i32 to vector<128x128xi32>
    %select_n3A_677 = arith.select %gt3A_673, %broadcast_in_dim3A_676, %select_n3A_671 : vector<128x128xi1>, vector<128x128xi32>
    %slice3A_678 = vector.extract_strided_slice %slice3A_392 {offsets = [0, 6144], sizes = [128, 128], strides = [1, 1]} : vector<128x8192xf32> to vector<128x128xf32>
    %gt3A_679 = arith.cmpf ogt, %slice3A_678, %select_n3A_674 : vector<128x128xf32>
    %select_n3A_680 = arith.select %gt3A_679, %slice3A_678, %select_n3A_674 : vector<128x128xi1>, vector<128x128xf32>
    %jit3A_681 = arith.constant 48 : i32
    %broadcast_in_dim3A_682 = vector.broadcast %jit3A_681 : i32 to vector<128x128xi32>
    %select_n3A_683 = arith.select %gt3A_679, %broadcast_in_dim3A_682, %select_n3A_677 : vector<128x128xi1>, vector<128x128xi32>
    %slice3A_684 = vector.extract_strided_slice %slice3A_392 {offsets = [0, 6272], sizes = [128, 128], strides = [1, 1]} : vector<128x8192xf32> to vector<128x128xf32>
    %gt3A_685 = arith.cmpf ogt, %slice3A_684, %select_n3A_680 : vector<128x128xf32>
    %select_n3A_686 = arith.select %gt3A_685, %slice3A_684, %select_n3A_680 : vector<128x128xi1>, vector<128x128xf32>
    %jit3A_687 = arith.constant 49 : i32
    %broadcast_in_dim3A_688 = vector.broadcast %jit3A_687 : i32 to vector<128x128xi32>
    %select_n3A_689 = arith.select %gt3A_685, %broadcast_in_dim3A_688, %select_n3A_683 : vector<128x128xi1>, vector<128x128xi32>
    %slice3A_690 = vector.extract_strided_slice %slice3A_392 {offsets = [0, 6400], sizes = [128, 128], strides = [1, 1]} : vector<128x8192xf32> to vector<128x128xf32>
    %gt3A_691 = arith.cmpf ogt, %slice3A_690, %select_n3A_686 : vector<128x128xf32>
    %select_n3A_692 = arith.select %gt3A_691, %slice3A_690, %select_n3A_686 : vector<128x128xi1>, vector<128x128xf32>
    %jit3A_693 = arith.constant 50 : i32
    %broadcast_in_dim3A_694 = vector.broadcast %jit3A_693 : i32 to vector<128x128xi32>
    %select_n3A_695 = arith.select %gt3A_691, %broadcast_in_dim3A_694, %select_n3A_689 : vector<128x128xi1>, vector<128x128xi32>
    %slice3A_696 = vector.extract_strided_slice %slice3A_392 {offsets = [0, 6528], sizes = [128, 128], strides = [1, 1]} : vector<128x8192xf32> to vector<128x128xf32>
    %gt3A_697 = arith.cmpf ogt, %slice3A_696, %select_n3A_692 : vector<128x128xf32>
    %select_n3A_698 = arith.select %gt3A_697, %slice3A_696, %select_n3A_692 : vector<128x128xi1>, vector<128x128xf32>
    %jit3A_699 = arith.constant 51 : i32
    %broadcast_in_dim3A_700 = vector.broadcast %jit3A_699 : i32 to vector<128x128xi32>
    %select_n3A_701 = arith.select %gt3A_697, %broadcast_in_dim3A_700, %select_n3A_695 : vector<128x128xi1>, vector<128x128xi32>
    %slice3A_702 = vector.extract_strided_slice %slice3A_392 {offsets = [0, 6656], sizes = [128, 128], strides = [1, 1]} : vector<128x8192xf32> to vector<128x128xf32>
    %gt3A_703 = arith.cmpf ogt, %slice3A_702, %select_n3A_698 : vector<128x128xf32>
    %select_n3A_704 = arith.select %gt3A_703, %slice3A_702, %select_n3A_698 : vector<128x128xi1>, vector<128x128xf32>
    %jit3A_705 = arith.constant 52 : i32
    %broadcast_in_dim3A_706 = vector.broadcast %jit3A_705 : i32 to vector<128x128xi32>
    %select_n3A_707 = arith.select %gt3A_703, %broadcast_in_dim3A_706, %select_n3A_701 : vector<128x128xi1>, vector<128x128xi32>
    %slice3A_708 = vector.extract_strided_slice %slice3A_392 {offsets = [0, 6784], sizes = [128, 128], strides = [1, 1]} : vector<128x8192xf32> to vector<128x128xf32>
    %gt3A_709 = arith.cmpf ogt, %slice3A_708, %select_n3A_704 : vector<128x128xf32>
    %select_n3A_710 = arith.select %gt3A_709, %slice3A_708, %select_n3A_704 : vector<128x128xi1>, vector<128x128xf32>
    %jit3A_711 = arith.constant 53 : i32
    %broadcast_in_dim3A_712 = vector.broadcast %jit3A_711 : i32 to vector<128x128xi32>
    %select_n3A_713 = arith.select %gt3A_709, %broadcast_in_dim3A_712, %select_n3A_707 : vector<128x128xi1>, vector<128x128xi32>
    %slice3A_714 = vector.extract_strided_slice %slice3A_392 {offsets = [0, 6912], sizes = [128, 128], strides = [1, 1]} : vector<128x8192xf32> to vector<128x128xf32>
    %gt3A_715 = arith.cmpf ogt, %slice3A_714, %select_n3A_710 : vector<128x128xf32>
    %select_n3A_716 = arith.select %gt3A_715, %slice3A_714, %select_n3A_710 : vector<128x128xi1>, vector<128x128xf32>
    %jit3A_717 = arith.constant 54 : i32
    %broadcast_in_dim3A_718 = vector.broadcast %jit3A_717 : i32 to vector<128x128xi32>
    %select_n3A_719 = arith.select %gt3A_715, %broadcast_in_dim3A_718, %select_n3A_713 : vector<128x128xi1>, vector<128x128xi32>
    %slice3A_720 = vector.extract_strided_slice %slice3A_392 {offsets = [0, 7040], sizes = [128, 128], strides = [1, 1]} : vector<128x8192xf32> to vector<128x128xf32>
    %gt3A_721 = arith.cmpf ogt, %slice3A_720, %select_n3A_716 : vector<128x128xf32>
    %select_n3A_722 = arith.select %gt3A_721, %slice3A_720, %select_n3A_716 : vector<128x128xi1>, vector<128x128xf32>
    %jit3A_723 = arith.constant 55 : i32
    %broadcast_in_dim3A_724 = vector.broadcast %jit3A_723 : i32 to vector<128x128xi32>
    %select_n3A_725 = arith.select %gt3A_721, %broadcast_in_dim3A_724, %select_n3A_719 : vector<128x128xi1>, vector<128x128xi32>
    %slice3A_726 = vector.extract_strided_slice %slice3A_392 {offsets = [0, 7168], sizes = [128, 128], strides = [1, 1]} : vector<128x8192xf32> to vector<128x128xf32>
    %gt3A_727 = arith.cmpf ogt, %slice3A_726, %select_n3A_722 : vector<128x128xf32>
    %select_n3A_728 = arith.select %gt3A_727, %slice3A_726, %select_n3A_722 : vector<128x128xi1>, vector<128x128xf32>
    %jit3A_729 = arith.constant 56 : i32
    %broadcast_in_dim3A_730 = vector.broadcast %jit3A_729 : i32 to vector<128x128xi32>
    %select_n3A_731 = arith.select %gt3A_727, %broadcast_in_dim3A_730, %select_n3A_725 : vector<128x128xi1>, vector<128x128xi32>
    %slice3A_732 = vector.extract_strided_slice %slice3A_392 {offsets = [0, 7296], sizes = [128, 128], strides = [1, 1]} : vector<128x8192xf32> to vector<128x128xf32>
    %gt3A_733 = arith.cmpf ogt, %slice3A_732, %select_n3A_728 : vector<128x128xf32>
    %select_n3A_734 = arith.select %gt3A_733, %slice3A_732, %select_n3A_728 : vector<128x128xi1>, vector<128x128xf32>
    %jit3A_735 = arith.constant 57 : i32
    %broadcast_in_dim3A_736 = vector.broadcast %jit3A_735 : i32 to vector<128x128xi32>
    %select_n3A_737 = arith.select %gt3A_733, %broadcast_in_dim3A_736, %select_n3A_731 : vector<128x128xi1>, vector<128x128xi32>
    %slice3A_738 = vector.extract_strided_slice %slice3A_392 {offsets = [0, 7424], sizes = [128, 128], strides = [1, 1]} : vector<128x8192xf32> to vector<128x128xf32>
    %gt3A_739 = arith.cmpf ogt, %slice3A_738, %select_n3A_734 : vector<128x128xf32>
    %select_n3A_740 = arith.select %gt3A_739, %slice3A_738, %select_n3A_734 : vector<128x128xi1>, vector<128x128xf32>
    %jit3A_741 = arith.constant 58 : i32
    %broadcast_in_dim3A_742 = vector.broadcast %jit3A_741 : i32 to vector<128x128xi32>
    %select_n3A_743 = arith.select %gt3A_739, %broadcast_in_dim3A_742, %select_n3A_737 : vector<128x128xi1>, vector<128x128xi32>
    %slice3A_744 = vector.extract_strided_slice %slice3A_392 {offsets = [0, 7552], sizes = [128, 128], strides = [1, 1]} : vector<128x8192xf32> to vector<128x128xf32>
    %gt3A_745 = arith.cmpf ogt, %slice3A_744, %select_n3A_740 : vector<128x128xf32>
    %select_n3A_746 = arith.select %gt3A_745, %slice3A_744, %select_n3A_740 : vector<128x128xi1>, vector<128x128xf32>
    %jit3A_747 = arith.constant 59 : i32
    %broadcast_in_dim3A_748 = vector.broadcast %jit3A_747 : i32 to vector<128x128xi32>
    %select_n3A_749 = arith.select %gt3A_745, %broadcast_in_dim3A_748, %select_n3A_743 : vector<128x128xi1>, vector<128x128xi32>
    %slice3A_750 = vector.extract_strided_slice %slice3A_392 {offsets = [0, 7680], sizes = [128, 128], strides = [1, 1]} : vector<128x8192xf32> to vector<128x128xf32>
    %gt3A_751 = arith.cmpf ogt, %slice3A_750, %select_n3A_746 : vector<128x128xf32>
    %select_n3A_752 = arith.select %gt3A_751, %slice3A_750, %select_n3A_746 : vector<128x128xi1>, vector<128x128xf32>
    %jit3A_753 = arith.constant 60 : i32
    %broadcast_in_dim3A_754 = vector.broadcast %jit3A_753 : i32 to vector<128x128xi32>
    %select_n3A_755 = arith.select %gt3A_751, %broadcast_in_dim3A_754, %select_n3A_749 : vector<128x128xi1>, vector<128x128xi32>
    %slice3A_756 = vector.extract_strided_slice %slice3A_392 {offsets = [0, 7808], sizes = [128, 128], strides = [1, 1]} : vector<128x8192xf32> to vector<128x128xf32>
    %gt3A_757 = arith.cmpf ogt, %slice3A_756, %select_n3A_752 : vector<128x128xf32>
    %select_n3A_758 = arith.select %gt3A_757, %slice3A_756, %select_n3A_752 : vector<128x128xi1>, vector<128x128xf32>
    %jit3A_759 = arith.constant 61 : i32
    %broadcast_in_dim3A_760 = vector.broadcast %jit3A_759 : i32 to vector<128x128xi32>
    %select_n3A_761 = arith.select %gt3A_757, %broadcast_in_dim3A_760, %select_n3A_755 : vector<128x128xi1>, vector<128x128xi32>
    %slice3A_762 = vector.extract_strided_slice %slice3A_392 {offsets = [0, 7936], sizes = [128, 128], strides = [1, 1]} : vector<128x8192xf32> to vector<128x128xf32>
    %gt3A_763 = arith.cmpf ogt, %slice3A_762, %select_n3A_758 : vector<128x128xf32>
    %select_n3A_764 = arith.select %gt3A_763, %slice3A_762, %select_n3A_758 : vector<128x128xi1>, vector<128x128xf32>
    %jit3A_765 = arith.constant 62 : i32
    %broadcast_in_dim3A_766 = vector.broadcast %jit3A_765 : i32 to vector<128x128xi32>
    %select_n3A_767 = arith.select %gt3A_763, %broadcast_in_dim3A_766, %select_n3A_761 : vector<128x128xi1>, vector<128x128xi32>
    %slice3A_768 = vector.extract_strided_slice %slice3A_392 {offsets = [0, 8064], sizes = [128, 128], strides = [1, 1]} : vector<128x8192xf32> to vector<128x128xf32>
    %gt3A_769 = arith.cmpf ogt, %slice3A_768, %select_n3A_764 : vector<128x128xf32>
    %select_n3A_770 = arith.select %gt3A_769, %slice3A_768, %select_n3A_764 : vector<128x128xi1>, vector<128x128xf32>
    %jit3A_771 = arith.constant 63 : i32
    %broadcast_in_dim3A_772 = vector.broadcast %jit3A_771 : i32 to vector<128x128xi32>
    %select_n3A_773 = arith.select %gt3A_769, %broadcast_in_dim3A_772, %select_n3A_767 : vector<128x128xi1>, vector<128x128xi32>
    %mul3A_774 = arith.constant 128 : i32
    %mul3A_775 = vector.broadcast %mul3A_774 : i32 to vector<128x128xi32>
    %mul3A_776 = arith.muli %select_n3A_773, %mul3A_775 : vector<128x128xi32>
    %iota3A_777 = tpu.iota {dimensions = array<i32: 1>} : vector<128x128xi32>
    %add3A_778 = arith.addi %mul3A_776, %iota3A_777 : vector<128x128xi32>
    %reduce_max3A_779 = arith.constant dense<0xFF800000> : vector<128xf32>
    %reduce_max3A_780 = vector.multi_reduction <maximumf>, %select_n3A_770, %reduce_max3A_779 [1] : vector<128x128xf32> to vector<128xf32>
    %broadcast_in_dim3A_781 = vector.shape_cast %reduce_max3A_780 : vector<128xf32> to vector<128x1xf32>
    %eq3A_782 = vector.broadcast %broadcast_in_dim3A_781 : vector<128x1xf32> to vector<128x128xf32>
    %eq3A_783 = arith.cmpf oeq, %select_n3A_770, %eq3A_782 : vector<128x128xf32>
    %jit3A_784 = arith.constant 8192 : i32
    %broadcast_in_dim3A_785 = vector.broadcast %jit3A_784 : i32 to vector<128x128xi32>
    %select_n3A_786 = arith.select %eq3A_783, %add3A_778, %broadcast_in_dim3A_785 : vector<128x128xi1>, vector<128x128xi32>
    %reduce_min3A_787 = arith.constant dense<2147483647> : vector<128xi32>
    %reduce_min3A_788 = vector.multi_reduction <minsi>, %select_n3A_786, %reduce_min3A_787 [1] : vector<128x128xi32> to vector<128xi32>
    %concatenate3A = tpu.concatenate %reduce_min3A_391, %reduce_min3A_788 in 0 : vector<128xi32>, vector<128xi32> -> vector<256xi32>
    %swap3A = arith.constant 0 : index
    %swap3A_789 = arith.constant 0 : index
    %swap3A_790 = arith.constant 0 : index
    %swap3A_791 = vector.load %arg3[%swap3A, %swap3A_789, %swap3A_790] : memref<1x1x256xi32, #tpu.memory_space<vmem>>, vector<1x1x256xi32>
    %swap3A_792 = vector.shape_cast %swap3A_791 : vector<1x1x256xi32> to vector<256xi32>
    %swap3A_793 = vector.shape_cast %concatenate3A : vector<256xi32> to vector<1x1x256xi32>
    tpu.vector_store %arg3[%swap3A, %swap3A_789, %swap3A_790], %swap3A_793 {strides = array<i32>} : memref<1x1x256xi32, #tpu.memory_space<vmem>>, vector<1x1x256xi32>,
    return
  }
  func.func @transform_0(%arg0: i32) -> (i32, i32) {
    %c0_i32 = arith.constant 0 : i32
    %c0_i32_0 = arith.constant 0 : i32
    return %arg0, %c0_i32 : i32, i32
  }
  func.func @transform_1(%arg0: i32) -> (i32, i32) {
    %c0_i32 = arith.constant 0 : i32
    %c0_i32_0 = arith.constant 0 : i32
    %c0_i32_1 = arith.constant 0 : i32
    return %c0_i32, %c0_i32_0 : i32, i32
  }
  func.func @transform_2(%arg0: i32) -> (i32, i32, i32) {
    %c0_i32 = arith.constant 0 : i32
    %c0_i32_0 = arith.constant 0 : i32
    %c0_i32_1 = arith.constant 0 : i32
    return %arg0, %c0_i32, %c0_i32_0 : i32, i32, i32
  }
}

module attributes {stable_mosaic.version = 14 : i64} {
  func.func @_emb_prep_body(%arg0: i32, %arg1: memref<1024x64xf32, #tpu.memory_space<vmem>>, %arg2: memref<64x384xf32, #tpu.memory_space<vmem>>, %arg3: memref<1x384xf32, #tpu.memory_space<vmem>>, %arg4: memref<1024x384xf32, #tpu.memory_space<vmem>>) attributes {dimension_semantics = [#tpu.dimension_semantics<arbitrary>], iteration_bounds = array<i64: 8>, scalar_prefetch = 0 : i64, scratch_operands = 0 : i64, tpu.core_type = #tpu.core_type<tc>, window_params = [{transform_indices = @transform_0, window_bounds = array<i64: 1024, 64>}, {pipeline_mode = #tpu.pipeline_mode<synchronous>, transform_indices = @transform_1, window_bounds = array<i64: 64, 384>}, {pipeline_mode = #tpu.pipeline_mode<synchronous>, transform_indices = @transform_2, window_bounds = array<i64: 1, 384>}, {transform_indices = @transform_3, window_bounds = array<i64: 1024, 384>}]} {
    %get3A = arith.constant 0 : index
    %get3A_0 = arith.constant 0 : index
    %get3A_1 = vector.load %arg1[%get3A, %get3A_0] : memref<1024x64xf32, #tpu.memory_space<vmem>>, vector<1024x64xf32>
    %get3A_2 = arith.constant 0 : index
    %get3A_3 = arith.constant 0 : index
    %get3A_4 = vector.load %arg2[%get3A_2, %get3A_3] : memref<64x384xf32, #tpu.memory_space<vmem>>, vector<64x384xf32>
    %dot_general3A = arith.constant dense<0.000000e+00> : vector<1024x384xf32>
    %dot_general3A_5 = tpu.matmul %get3A_1, %get3A_4, %dot_general3A {dimension_numbers = #tpu.dot_dimension_numbers<[1], [0], [0], [1], [0, 0, 1, 1], [], []>, transpose_lhs_hint = false} : vector<1024x64xf32>, vector<64x384xf32>, vector<1024x384xf32> -> vector<1024x384xf32>
    %get3A_6 = arith.constant 0 : index
    %get3A_7 = arith.constant 0 : index
    %get3A_8 = vector.load %arg3[%get3A_6, %get3A_7] : memref<1x384xf32, #tpu.memory_space<vmem>>, vector<1x384xf32>
    %add3A = vector.broadcast %get3A_8 : vector<1x384xf32> to vector<1024x384xf32>
    %add3A_9 = arith.addf %dot_general3A_5, %add3A : vector<1024x384xf32>
    %swap3A = arith.constant 0 : index
    %swap3A_10 = arith.constant 0 : index
    %swap3A_11 = vector.load %arg4[%swap3A, %swap3A_10] : memref<1024x384xf32, #tpu.memory_space<vmem>>, vector<1024x384xf32>
    tpu.vector_store %arg4[%swap3A, %swap3A_10], %add3A_9 {strides = array<i32>} : memref<1024x384xf32, #tpu.memory_space<vmem>>, vector<1024x384xf32>,
    return
  }
  func.func @transform_0(%arg0: i32) -> (i32, i32) {
    %c0_i32 = arith.constant 0 : i32
    %c0_i32_0 = arith.constant 0 : i32
    return %arg0, %c0_i32 : i32, i32
  }
  func.func @transform_1(%arg0: i32) -> (i32, i32) {
    %c0_i32 = arith.constant 0 : i32
    %c0_i32_0 = arith.constant 0 : i32
    %c0_i32_1 = arith.constant 0 : i32
    return %c0_i32, %c0_i32_0 : i32, i32
  }
  func.func @transform_2(%arg0: i32) -> (i32, i32) {
    %c0_i32 = arith.constant 0 : i32
    %c0_i32_0 = arith.constant 0 : i32
    %c0_i32_1 = arith.constant 0 : i32
    return %c0_i32, %c0_i32_0 : i32, i32
  }
  func.func @transform_3(%arg0: i32) -> (i32, i32) {
    %c0_i32 = arith.constant 0 : i32
    %c0_i32_0 = arith.constant 0 : i32
    return %arg0, %c0_i32 : i32, i32
  }
}

</mosaic_0001>

<sc_bundles>
// kernel: kernel.5.cloned.1.call-start
scs
__scs_entry_jumppad:
0x0: {  	(pc) =	sbr.rel $0x88, $3  }
0x1: {  	(tag) =	ssettag $0x0;
	lr =	simm.s32 $0x1  }
0x2: {  	[smem:$0x3F9B] =	sst lr;
	_ =	strace $0xD0000000  }
0x3: {  	_ = 	snop  }
0x4: {  	_ = 	snop  }
0x5: {  	_ = 	snop  }
0x6: {  	_ = 	snop  }
0x7: {  	_ = 	snop  }
__scs_overlays_trampoline_lowered:
0x8: {  	[smem:$0x3FAA] =	sst s0  }
0x9: {  	[smem:$0x3FAB] =	sst s1  }
0xa: {  	[smem:$0x3FAC] =	sst s2  }
0xb: {  	[smem:$0x3FAD] =	sst s3  }
0xc: {  	[smem:$0x3FAE] =	sst s4  }
0xd: {  	[smem:$0x3FAF] =	sst s5  }
0xe: {  	[smem:$0x3FB0] =	sst s6  }
0xf: {  	[smem:$0x3FB1] =	sst s7  }
0x10: {  	[smem:$0x3FB2] =	sst s8  }
0x11: {  	[smem:$0x3FB3] =	sst s9;
	s0 =	simm.s32 @!p0 $0x0  }
0x12: {  	s1 =	sld [smem:$0x3F99];
	s0 =	simm.s32 @p0 $0x1  }
0x13: {  	[smem:$0x3FB4] =	sst s0;
	s0 =	simm.s32 @!p1 $0x0  }
0x14: {  	s2 =	sld [smem:$0x3F98];
	s0 =	simm.s32 @p1 $0x1  }
0x15: {  	[smem:$0x3FB5] =	sst s0;
	s0 =	simm.s32 @!p2 $0x0  }
0x16: {  	s3 =	sld [smem:$0x3FDB];
	s0 =	simm.s32 @p2 $0x1  }
0x17: {  	s4 =	simm.s32 $0x1BF5;
	[smem:$0x3FB7] =	sst s0  }
0x18: {  	s0 =	sld [smem:$0x3F9A];
	_ =	swait.ge [sflag:s4], $0x0  }
0x19: {  	s7 =	sld [smem:$0x3F9B]  }
0x1a: {  	s8 =	sadd.s32 $0xFFFFE003, lr  }
0x1b: {  	s9 =	sadd.s32 $0xFFFFFEF7, lr;
	s5 =	simm.s32 $0xFFFFFFFF;
	p2 =	slt.u32 s8, $0xFFFFF086  }
0x1c: {  	p1 =	slt.u32 s9, $0xF7A;
	s5 =	simm.s32 @!p2 $0x0  }
0x1d: {  	s5 =	simm.s32 @p1 $0x1;
	p0 =	seq.s32 s7, s2  }
0x1e: {  	s7 =	smul.u32 @!p0 $0xF7A, s2;
	p2 =	seq.s32 @!p0 s5, $0x0  }
0x1f: {  	s9 =	smul.u32 $0xF7A, s1;
	s8 =	simm.s32 @!p0 $0x1BF5;
	p2 =	por !p2, p0  }
0x20: {  	[sflag:s8] =	ssyncset.s32 @!p0 $0xFFFFF086;
	s6 =	sadd.s32 @!p0 s3, s7;
	s7 =	simm.s32 @!p0 $0x108  }
0x21: {  	s3 =	sadd.s32 s3, s9;
	s6 =	sadd.s32 @!p0 $0x88, s6;
	s7 =	simm.s32 @p2 $0x1082  }
0x22: {  	[simem:s7], [sflag:s8] =	dma.local @!p0 [hbm:s6], $0xF7A  }
0x23: {  	s9 =	sor.u32 $0xD0000000, s2;
	s6 =	simm.s32 $0x108;
	_ =	swait.ge @!p0 [sflag:s8], $0x0  }
0x24: {  	s3 =	sadd.s32 $0x88, s3;
	s6 =	simm.s32 @!p1 $0x1082;
	[sflag:s4] =	ssyncset.s32 $0xFFFFF086  }
0x25: {  	[simem:s6], [sflag:s4] =	dma.local [hbm:s3], $0xF7A  }
0x26: {  	[smem:$0x3F9B] =	sst s1;
	(tag) =	ssettag s2;
	_ =	strace s9  }
0x27: {  	s1 =	sld [smem:$0x3FAB]  }
0x28: {  	s2 =	sld [smem:$0x3FAC]  }
0x29: {  	s4 =	sld [smem:$0x3FAE]  }
0x2a: {  	p0 =	seq.s32 s5, $0x0;
	s5 =	sld [smem:$0x3FAF]  }
0x2b: {  	s6 =	sld [smem:$0x3FB0]  }
0x2c: {  	s7 =	sld [smem:$0x3FB1]  }
0x2d: {  	s3 =	simm.s32 $0x108;
	s8 =	sld [smem:$0x3FB2]  }
0x2e: {  	s3 =	simm.s32 @!p0 $0x1082;
	s9 =	sld [smem:$0x3FB3]  }
0x2f: {  	lr =	sadd.s32 s0, s3;
	s0 =	sld [smem:$0x3FAA]  }
0x30: {  	s3 =	sld [smem:$0x3FAD]  }
0x31: {  	[smem:$0x3FB6] =	sst s10  }
0x32: {  	s10 =	sld [smem:$0x3FB4];
	_ =	sdelay $0x3  }
0x33: {  	p0 =	seq.s32 s10, $0x1;
	s10 =	sld [smem:$0x3FB6];
	_ =	sdelay $0x3  }
0x34: {  	[smem:$0x3FB6] =	sst s10  }
0x35: {  	s10 =	sld [smem:$0x3FB5];
	_ =	sdelay $0x3  }
0x36: {  	p1 =	seq.s32 s10, $0x1;
	s10 =	sld [smem:$0x3FB6];
	_ =	sdelay $0x3  }
0x37: {  	[smem:$0x3FB6] =	sst s10  }
0x38: {  	s10 =	sld [smem:$0x3FB7]  }
0x39: {  	_ = 	snop;
	(pc) =	sbr.ind lr, $3  }
0x3a: {  	_ = 	snop  }
0x3b: {  	_ = 	snop  }
0x3c: {  	p2 =	seq.s32 s10, $0x1;
	s10 =	sld [smem:$0x3FB6]  }
0x3d: {  	_ =	shalt  }
0x3e: {  	_ =	shalt  }
0x3f: {  	_ =	shalt  }
0x40: {  	_ =	shalt  }
0x41: {  	_ =	shalt  }
0x42: {  	_ =	shalt  }
0x43: {  	_ =	shalt  }
0x44: {  	_ =	shalt  }
0x45: {  	_ =	shalt  }
0x46: {  	_ =	shalt  }
0x47: {  	_ =	shalt  }
0x48: {  	_ =	shalt  }
0x49: {  	_ =	shalt  }
0x4a: {  	_ =	shalt  }
0x4b: {  	_ =	shalt  }
0x4c: {  	_ =	shalt  }
0x4d: {  	_ =	shalt  }
0x4e: {  	_ =	shalt  }
0x4f: {  	_ =	shalt  }
0x50: {  	_ =	shalt  }
0x51: {  	_ =	shalt  }
0x52: {  	_ =	shalt  }
0x53: {  	_ =	shalt  }
0x54: {  	_ =	shalt  }
0x55: {  	_ =	shalt  }
0x56: {  	_ =	shalt  }
0x57: {  	_ =	shalt  }
0x58: {  	_ =	shalt  }
0x59: {  	_ =	shalt  }
0x5a: {  	_ =	shalt  }
0x5b: {  	_ =	shalt  }
0x5c: {  	_ =	shalt  }
0x5d: {  	_ =	shalt  }
0x5e: {  	_ =	shalt  }
0x5f: {  	_ =	shalt  }
0x60: {  	_ =	shalt  }
0x61: {  	_ =	shalt  }
0x62: {  	_ =	shalt  }
0x63: {  	_ =	shalt  }
0x64: {  	_ =	shalt  }
0x65: {  	_ =	shalt  }
0x66: {  	_ =	shalt  }
0x67: {  	_ =	shalt  }
0x68: {  	_ =	shalt  }
0x69: {  	_ =	shalt  }
0x6a: {  	_ =	shalt  }
0x6b: {  	_ =	shalt  }
0x6c: {  	_ =	shalt  }
0x6d: {  	_ =	shalt  }
0x6e: {  	_ =	shalt  }
0x6f: {  	_ =	shalt  }
0x70: {  	_ =	shalt  }
0x71: {  	_ =	shalt  }
0x72: {  	_ =	shalt  }
0x73: {  	_ =	shalt  }
0x74: {  	_ =	shalt  }
0x75: {  	_ =	shalt  }
0x76: {  	_ =	shalt  }
0x77: {  	_ =	shalt  }
0x78: {  	_ =	shalt  }
0x79: {  	_ =	shalt  }
0x7a: {  	_ =	shalt  }
0x7b: {  	_ =	shalt  }
0x7c: {  	_ =	shalt  }
0x7d: {  	_ =	shalt  }
0x7e: {  	_ =	shalt  }
0x7f: {  	_ =	shalt  }
0x80: {  	_ =	shalt  }
0x81: {  	_ =	shalt  }
0x82: {  	_ =	shalt  }
0x83: {  	_ =	shalt  }
0x84: {  	_ =	shalt  }
0x85: {  	_ =	shalt  }
0x86: {  	_ =	shalt  }
0x87: {  	_ =	shalt  }
.Lfunc_end0:
.L_simem_size_0:
called_computation_lowered:
.L_overlay_start_0:
0x88: {  	s2 =	sld [smem:$0x3FD9]  }
0x89: {  	s3 =	sld [smem:$0x3FFE];
	_ =	sdelay $0x1  }
0x8a: {  	s1 =	srdreg.scid  }
0x8b: {  	s0 =	sand.u32 $0x1, s1  }
0x8c: {  	s14 =	sshll.u32 s0, $0xA;
	s2 =	sadd.s32 s3, s2  }
0x8d: {  	s2 =	sadd.s32 s2, s14  }
0x8e: {  	[smem:$0x3FC2] =	sst s2  }
0x8f: {  	_ = 	snop  }
0x90: {  	s2 =	sld [smem:$0x3FD0];
	_ =	sdelay $0x2  }
0x91: {  	s15 =	simm.s32 $0xA;
	s4 =	simm.s32 $0x10  }
0x92: {  	[smem:s4], [sflag:s15] =	dma.local [hbm:s2], $0x1  }
0x93: {  	_ =	swait.eq [sflag:s15], $0x1  }
0x94: {  	[sflag:s15] =	ssyncset.done $0x0  }
0x95: {  	s16 =	sld [smem:$0x10];
	[sflag:s15] =	ssyncadd.s32 $0xFFFFFFFF  }
0x96: {  	s17 =	sld [smem:$0x11];
	(tm) =	ssettm $0x1  }
0x97: {  	s18 =	sld [smem:$0x3FFB];
	_ =	sdelay $0x3  }
0x98: {  	_ =	strace s18  }
0x99: {  	s4 =	sld [smem:$0x3FFC];
	_ =	sdelay $0x3  }
0x9a: {  	_ =	strace s4  }
0x9b: {  	s4 =	sld [smem:$0x3FFD];
	_ =	sdelay $0x3  }
0x9c: {  	_ =	strace s4  }
0x9d: {  	_ =	strace $0x8FFFFFFF  }
0x9e: {  	s19 =	sld [smem:$0x3FDB];
	_ =	sdelay $0x1  }
0x9f: {  	s5 =	simm.s32 $_scs_section_size  }
0xa0: {  	s6 =	simm.s32 $_size__tile_overlayer_lowered;
	s7 =	simm.s32 $_tile_overlayer_lowered  }
0xa1: {  	s22 =	simm.s32 $0x1BFF;
	s21 =	sshll.u32 s7, $0x1;
	s4 =	sadd.s32 s5, s19  }
0xa2: {  	s8 =	simm.s32 $0x0;
	s20 =	sshll.u32 s6, $0x1;
	s6 =	sadd.s32 s21, s4  }
0xa3: {  	[timem:s8], [sflag:s22] =	dma.local [hbm:s6], s20  }
0xa4: {  	_ =	swait.ge [sflag:s22], s20  }
0xa5: {  	s5 =	ssub.s32 $0x0, s20;
	[sflag:s22] =	ssyncset.done $0x0  }
0xa6: {  	[sflag:s22] =	ssyncadd.s32 s5;
	_ =	sdelay $0x1  }
0xa7: {  	s23 =	simm.s32 $0x1B8B  }
0xa8: {  	_ =	swait.ge [sflag:s23], $0x1  }
0xa9: {  	[sflag:s23] =	ssyncset.done $0x0  }
0xaa: {  	s25 =	simm.s32 $0x1B8E;
	s24 =	sld [smem:$0x3FFE];
	[sflag:s23] =	ssyncadd.s32 $0xFFFFFFFF  }
0xab: {  	s26 =	simm.s32 $execute0_lowered;
	[smem:$0x3FD2] =	sst s25  }
0xac: {  	s6 =	sshll.u32 s26, $0x1;
	_ =	strace $0x80000046;
	[dreg:$0x1] =	wrdreg $0xFFFFFFFF  }
0xad: {  	s28 =	simm.s32 $_size_execute0_lowered;
	s4 =	sadd.s32 s4, s6;
	[dreg:$0x0] =	wrdreg $0x0  }
0xae: {  	s6 =	sshll.u32 s28, $0x1;
	[dreg:$0x2] =	wrdreg s4  }
0xaf: {  	[dreg:$0x3] =	wrdreg s6  }
0xb0: {  	[dreg:$0x4] =	wrdreg $0xC0  }
0xb1: {  	_ =	task [dreg:s8], $0x5FFFF  }
0xb2: {  	[dreg:$0x1] =	wrdreg $0xFFFFFFFF  }
0xb3: {  	[dreg:$0x0] =	wrdreg $0x60  }
0xb4: {  	[dreg:$0x2] =	wrdreg s24  }
0xb5: {  	[dreg:$0x3] =	wrdreg s17  }
0xb6: {  	[dreg:$0x4] =	wrdreg s16  }
0xb7: {  	[dreg:$0x5] =	wrdreg $0x9  }
0xb8: {  	_ =	task.clear_ibuf [dreg:s8], $0x6FFFF;
	_ =	strace $0x90000046  }
0xb9: {  	s29 =	simm.s32 $0x9;
	_ =	strace $0x80000048  }
0xba: {  	_ =	swait.ge [sflag:s29], $0x1  }
0xbb: {  	[sflag:s29] =	ssyncadd.s32 $0xFFFFFFFF  }
0xbc: {  	_ =	strace $0x90000048  }
0xbd: {  	_ =	sfence  }
0xbe: {  	s30 =	sld [smem:$0x0];
	_ =	sdelay $0x2  }
0xbf: {  	s31 =	sshll.u32 s1, $0xD;
	s1 =	sshrl.u32 s1, $0x2  }
0xc0: {  	s3 =	sand.u32 $0x4000, s31;
	s1 =	sadd.s32 s1, s30  }
0xc1: {  	s0 =	sor.u32 s3, s0;
	s1 =	sshll.u32 s1, $0x11  }
0xc2: {  	s0 =	sor.u32 s1, s0  }
0xc3: {  	s0 =	sadd.s32 $0x8F2B, s0  }
0xc4: {  	[sflag:s0] =	ssyncadd.remote.s32 $0x1  }
0xc5: {  	_ =	sfence.sel $0xFFFF  }
0xc6: {  	[dreg:$0x0] =	wrdreg $0xFFFFFFFF;
	(pc) =	sbr.abs _section_cstart, $3  }
0xc7: {  	[dreg:$0x1] =	wrdreg $0xFFFFFFFF  }
0xc8: {  	_ =	task.clear_ibuf [dreg:s8], $0x2FFFF;
	_ =	strace $0x9FFFFFFF  }
0xc9: {  	(tm) =	ssettm $0x7FFFFFFF  }
tec
execute0_lowered:
.L_overlay_start_1:
0x0: {  	(tag) =	ssettag $0x1  }
0x1: {  	s1 =	rddreg [dreg:$0x0]  }
0x2: {  	s2 =	srdreg.scid;
	s3 =	rddreg [dreg:$0x1]  }
0x3: {  	s5 =	rddreg [dreg:$0x2];
	s4 =	sand.u32 $0x1, s2;
	s2 =	simm.s32 $0x0  }
0x4: {  	s9 =	simm.s32 $0x900;
	[smem:$0x7FF] =	sst s2  }
0x5: {  	s10 =	simm.s32 $0xD00;
	_ =	strace $0x80000047;
	[dreg:$0x7] =	wrdreg s9  }
0x6: {  	s11 =	simm.s32 $0x1500;
	[dreg:$0x8] =	wrdreg s10  }
0x7: {  	s12 =	simm.s32 $0x1900;
	[dreg:$0x9] =	wrdreg s11  }
0x8: {  	s13 =	simm.s32 $0x2100;
	[dreg:$0xa] =	wrdreg s12  }
0x9: {  	s14 =	simm.s32 $0x2500;
	[dreg:$0xb] =	wrdreg s13  }
0xa: {  	s15 =	simm.s32 $0x2D00;
	[dreg:$0xc] =	wrdreg s14  }
0xb: {  	s16 =	simm.s32 $0x3100;
	[dreg:$0xd] =	wrdreg s15  }
0xc: {  	s17 =	simm.s32 $0x3900;
	[dreg:$0xe] =	wrdreg s16  }
0xd: {  	s18 =	simm.s32 $0x3D00;
	[dreg:$0xf] =	wrdreg s17  }
0xe: {  	s19 =	simm.s32 $0x4500;
	[dreg:$0x10] =	wrdreg s18  }
0xf: {  	s20 =	simm.s32 $0x4900;
	[dreg:$0x11] =	wrdreg s19  }
0x10: {  	s21 =	simm.s32 $0x5100;
	[dreg:$0x12] =	wrdreg s20  }
0x11: {  	s22 =	simm.s32 $0x5500;
	[dreg:$0x13] =	wrdreg s21  }
0x12: {  	s23 =	simm.s32 $0x5D00;
	[dreg:$0x14] =	wrdreg s22  }
0x13: {  	s24 =	simm.s32 $0x6100;
	[dreg:$0x15] =	wrdreg s23  }
0x14: {  	s0 =	stileid.u32;
	s25 =	simm.s32 $0x6900;
	[dreg:$0x16] =	wrdreg s24  }
0x15: {  	s26 =	simm.s32 $0x6D00;
	s0 =	sshll.u32 s0, $0x1;
	[dreg:$0x17] =	wrdreg s25  }
0x16: {  	s6 =	sor.u32 s4, s0;
	s0 =	simm.s32 $0x7500;
	[dreg:$0x18] =	wrdreg s26  }
0x17: {  	[dreg:$0x19] =	wrdreg s0;
	s9 =	simm.s32 $0x9100  }
0x18: {  	s10 =	simm.s32 $0x9900;
	[dreg:$0x1e] =	wrdreg s9  }
0x19: {  	s11 =	simm.s32 $0x9D00;
	[dreg:$0x1f] =	wrdreg s10  }
0x1a: {  	s12 =	simm.s32 $0xA500;
	[smem:$0x7EF] =	sst s11  }
0x1b: {  	s13 =	simm.s32 $0xA900;
	[smem:$0x7F0] =	sst s12  }
0x1c: {  	s14 =	simm.s32 $0xB100;
	[smem:$0x7F1] =	sst s13  }
0x1d: {  	s15 =	simm.s32 $0xB500;
	[smem:$0x7F2] =	sst s14  }
0x1e: {  	s16 =	simm.s32 $0xBD00;
	[smem:$0x7F3] =	sst s15  }
0x1f: {  	s28 =	simm.s32 $0x16900;
	s17 =	simm.s32 $0xC900;
	[smem:$0x7F4] =	sst s16  }
0x20: {  	s29 =	simm.s32 $0x17100;
	s18 =	simm.s32 $0xCD00;
	[smem:$0x7F5] =	sst s17  }
0x21: {  	s30 =	simm.s32 $0x17500;
	s20 =	simm.s32 $0xD500;
	[smem:$0x7F6] =	sst s18  }
0x22: {  	s31 =	simm.s32 $0x17D00;
	s21 =	simm.s32 $0xD900;
	[smem:$0x7F7] =	sst s20  }
0x23: {  	s4 =	ssub.s32 $0x2, s4;
	s22 =	simm.s32 $0xE100;
	[smem:$0x7F8] =	sst s21  }
0x24: {  	s7 =	smul.u32 $0x18000, s6;
	s23 =	simm.s32 $0xE500;
	[smem:$0x7F9] =	sst s22  }
0x25: {  	s8 =	sshll.u32 s6, $0x5;
	s24 =	simm.s32 $0xED00;
	[smem:$0x7FA] =	sst s23  }
0x26: {  	s6 =	smul.u32 $0x3000, s6;
	s25 =	simm.s32 $0xF100;
	[smem:$0x7FB] =	sst s24  }
0x27: {  	s19 =	sshrl.u32 s4, $0x1;
	s26 =	simm.s32 $0xF900;
	[smem:$0x7FC] =	sst s25  }
0x28: {  	s3 =	sadd.s32 s3, s8;
	[smem:$0x7FD] =	sst s26;
	s10 =	simm.s32 $0x10500  }
0x29: {  	s11 =	simm.s32 $0x10900;
	s12 =	simm.s32 $0x11100;
	s13 =	simm.s32 $0x11500  }
0x2a: {  	s14 =	simm.s32 $0x11D00;
	s15 =	simm.s32 $0x12100;
	s16 =	simm.s32 $0x12900  }
0x2b: {  	s17 =	simm.s32 $0x12D00;
	s18 =	simm.s32 $0x13500;
	s20 =	simm.s32 $0x14100  }
0x2c: {  	s21 =	simm.s32 $0x14500;
	s22 =	simm.s32 $0x14D00;
	s23 =	simm.s32 $0x15100  }
0x2d: {  	s24 =	simm.s32 $0x15900;
	s25 =	simm.s32 $0x15D00;
	s26 =	simm.s32 $0x16500  }
0x2e: {  	s7 =	sshrl.u32 s7, $0x3;
	[dreg:$0x4] =	wrdreg s3;
	s6 =	sadd.s32 s5, s6  }
0x2f: {  	s3 =	sadd.s32 $0xA00, s1;
	[dreg:$0x5] =	wrdreg s6;
	s6 =	simm.s32 $0x8100  }
0x30: {  	s5 =	sadd.s32 s5, s7;
	s7 =	simm.s32 $0x8500;
	[dreg:$0x1b] =	wrdreg s6  }
0x31: {  	s8 =	sadd.s32 $0x1800, s5;
	s5 =	simm.s32 $0x7900;
	[dreg:$0x1c] =	wrdreg s7  }
0x32: {  	s6 =	ssub.s32 s4, s19;
	s4 =	sadd.s32 $0xB00, s1;
	s7 =	simm.s32 $0x100  }
0x33: {  	v2 =	vlaneseq.u32;
	s19 =	simm.s32 $0x13900;
	s1 =	simm.s32 $0x1;
	[dreg:$0x6] =	wrdreg s8  }
0x34: {  	vm0 =	vmmov $0xffff;
	vm1 =	vmmov $0xff;
	v1 =	vshrl.u32 v2, $0x3;
	[dreg:$0x1a] =	wrdreg s5;
	s8 =	simm.s32 $0x8D00;
	s5 =	smax.u32 s6, $0x1  }
0x35: {  	v0 =	vand.u32 $0x7, v2;
	v2 =	vor.u32 $0x8, v2;
	v1 =	vmul.u32 $0x8, v1;
	s6 =	simm.s32 $0x2;
	[dreg:$0x1d] =	wrdreg s8;
	s8 =	simm.s32 $0xC100  }
.LBB2_1:
0x36: {  	s0 =	rddreg [dreg:$0x4]  }
0x37: {  	[tilespmem:s2], [sflag:$0x2] =	stream.linear.gather [hbm4b:s0+s2], $0x100, $0x38;
	[tilespmem:$0x18100] =	vst v63  }
0x38: {  	_ =	swait.ge [sflag:s6], $0x100  }
0x39: {  	[sflag:s6] =	ssyncset.done $0x0  }
0x3a: {  	[sflag:s6] =	ssyncadd.s32 $0xFFFFFF00  }
0x3b: {  	v3 =	vld [tilespmem:$0x0];
	_ =	sdelay $0x4  }
0x3c: {  	v4 =	vshrl.u32 v3, $0x3  }
0x3d: {  	v4 =	vmul.u32 $0x18, v4  }
0x3e: {  	v3 =	vand.u32 $0x7, v3  }
0x3f: {  	v3 =	vor.u32 v3, v4  }
0x40: {  	v4 =	vperm.xlane v3, v0;
	_ =	sdelay $0x1  }
0x41: {  	v4 =	vadd.s32 v1, v4;
	_ =	sdelay $0x1  }
0x42: {  	v3 =	vperm.xlane v3, v2;
	_ =	sdelay $0x1  }
0x43: {  	v3 =	vadd.s32 v1, v3  }
0x44: {  	[tilespmem:s7], [sflag:$0x1] =	stream.indirect_vreg.gather [hbm4b:s3+s2], $0x80, v4, vm0, $0xb8;
	[tilespmem:$0x18100] =	vst v63  }
0x45: {  	s0 =	rddreg [dreg:$0x7]  }
0x46: {  	[tilespmem:s0], [sflag:$0x1] =	stream.indirect_vreg.gather [hbm4b:s4+s2], $0x80, v4, vm1, $0xb8;
	[tilespmem:$0x18100] =	vst v63  }
0x47: {  	s9 =	rddreg [dreg:$0x8]  }
0x48: {  	[tilespmem:s9], [sflag:$0x1] =	stream.indirect_vreg.gather [hbm4b:s3+s2], $0x80, v3, vm0, $0xb8;
	[tilespmem:$0x18100] =	vst v63  }
0x49: {  	s0 =	rddreg [dreg:$0x9]  }
0x4a: {  	[tilespmem:s0], [sflag:$0x1] =	stream.indirect_vreg.gather [hbm4b:s4+s2], $0x80, v3, vm1, $0xb8;
	[tilespmem:$0x18100] =	vst v63  }
0x4b: {  	v3 =	vld [tilespmem:$0x10];
	_ =	sdelay $0x4  }
0x4c: {  	v49 =	vshrl.u32 v3, $0x3  }
0x4d: {  	v4 =	vmul.u32 $0x18, v49  }
0x4e: {  	v3 =	vand.u32 $0x7, v3  }
0x4f: {  	v3 =	vor.u32 v3, v4  }
0x50: {  	v4 =	vperm.xlane v3, v0;
	_ =	sdelay $0x1  }
0x51: {  	v4 =	vadd.s32 v1, v4;
	_ =	sdelay $0x1  }
0x52: {  	v3 =	vperm.xlane v3, v2;
	_ =	sdelay $0x1  }
0x53: {  	s0 =	rddreg [dreg:$0xa];
	v3 =	vadd.s32 v1, v3  }
0x54: {  	[tilespmem:s0], [sflag:$0x1] =	stream.indirect_vreg.gather [hbm4b:s3+s2], $0x80, v4, vm0, $0xb8;
	[tilespmem:$0x18100] =	vst v63  }
0x55: {  	s9 =	rddreg [dreg:$0xb]  }
0x56: {  	[tilespmem:s9], [sflag:$0x1] =	stream.indirect_vreg.gather [hbm4b:s4+s2], $0x80, v4, vm1, $0xb8;
	[tilespmem:$0x18100] =	vst v63  }
0x57: {  	s0 =	rddreg [dreg:$0xc]  }
0x58: {  	[tilespmem:s0], [sflag:$0x1] =	stream.indirect_vreg.gather [hbm4b:s3+s2], $0x80, v3, vm0, $0xb8;
	[tilespmem:$0x18100] =	vst v63  }
0x59: {  	s9 =	rddreg [dreg:$0xd]  }
0x5a: {  	[tilespmem:s9], [sflag:$0x1] =	stream.indirect_vreg.gather [hbm4b:s4+s2], $0x80, v3, vm1, $0xb8;
	[tilespmem:$0x18100] =	vst v63  }
0x5b: {  	v3 =	vld [tilespmem:$0x20];
	_ =	sdelay $0x4  }
0x5c: {  	v50 =	vshrl.u32 v3, $0x3  }
0x5d: {  	v4 =	vmul.u32 $0x18, v50  }
0x5e: {  	v3 =	vand.u32 $0x7, v3  }
0x5f: {  	v3 =	vor.u32 v3, v4  }
0x60: {  	v4 =	vperm.xlane v3, v0;
	_ =	sdelay $0x1  }
0x61: {  	v4 =	vadd.s32 v1, v4;
	_ =	sdelay $0x1  }
0x62: {  	v3 =	vperm.xlane v3, v2;
	_ =	sdelay $0x1  }
0x63: {  	s0 =	rddreg [dreg:$0xe];
	v3 =	vadd.s32 v1, v3  }
0x64: {  	[tilespmem:s0], [sflag:$0x1] =	stream.indirect_vreg.gather [hbm4b:s3+s2], $0x80, v4, vm0, $0xb8;
	[tilespmem:$0x18100] =	vst v63  }
0x65: {  	s9 =	rddreg [dreg:$0xf]  }
0x66: {  	[tilespmem:s9], [sflag:$0x1] =	stream.indirect_vreg.gather [hbm4b:s4+s2], $0x80, v4, vm1, $0xb8;
	[tilespmem:$0x18100] =	vst v63  }
0x67: {  	s0 =	rddreg [dreg:$0x10]  }
0x68: {  	[tilespmem:s0], [sflag:$0x1] =	stream.indirect_vreg.gather [hbm4b:s3+s2], $0x80, v3, vm0, $0xb8;
	[tilespmem:$0x18100] =	vst v63  }
0x69: {  	s9 =	rddreg [dreg:$0x11]  }
0x6a: {  	[tilespmem:s9], [sflag:$0x1] =	stream.indirect_vreg.gather [hbm4b:s4+s2], $0x80, v3, vm1, $0xb8;
	[tilespmem:$0x18100] =	vst v63  }
0x6b: {  	v3 =	vld [tilespmem:$0x30];
	_ =	sdelay $0x4  }
0x6c: {  	v51 =	vshrl.u32 v3, $0x3  }
0x6d: {  	v4 =	vmul.u32 $0x18, v51  }
0x6e: {  	v3 =	vand.u32 $0x7, v3  }
0x6f: {  	v3 =	vor.u32 v3, v4  }
0x70: {  	v4 =	vperm.xlane v3, v0;
	_ =	sdelay $0x1  }
0x71: {  	v4 =	vadd.s32 v1, v4;
	_ =	sdelay $0x1  }
0x72: {  	v3 =	vperm.xlane v3, v2;
	_ =	sdelay $0x1  }
0x73: {  	s0 =	rddreg [dreg:$0x12];
	v3 =	vadd.s32 v1, v3  }
0x74: {  	[tilespmem:s0], [sflag:$0x1] =	stream.indirect_vreg.gather [hbm4b:s3+s2], $0x80, v4, vm0, $0xb8;
	[tilespmem:$0x18100] =	vst v63  }
0x75: {  	s9 =	rddreg [dreg:$0x13]  }
0x76: {  	[tilespmem:s9], [sflag:$0x1] =	stream.indirect_vreg.gather [hbm4b:s4+s2], $0x80, v4, vm1, $0xb8;
	[tilespmem:$0x18100] =	vst v63  }
0x77: {  	s0 =	rddreg [dreg:$0x14]  }
0x78: {  	[tilespmem:s0], [sflag:$0x1] =	stream.indirect_vreg.gather [hbm4b:s3+s2], $0x80, v3, vm0, $0xb8;
	[tilespmem:$0x18100] =	vst v63  }
0x79: {  	s9 =	rddreg [dreg:$0x15]  }
0x7a: {  	[tilespmem:s9], [sflag:$0x1] =	stream.indirect_vreg.gather [hbm4b:s4+s2], $0x80, v3, vm1, $0xb8;
	[tilespmem:$0x18100] =	vst v63  }
0x7b: {  	v3 =	vld [tilespmem:$0x40];
	_ =	sdelay $0x4  }
0x7c: {  	v52 =	vshrl.u32 v3, $0x3  }
0x7d: {  	v4 =	vmul.u32 $0x18, v52  }
0x7e: {  	v3 =	vand.u32 $0x7, v3  }
0x7f: {  	v3 =	vor.u32 v3, v4  }
0x80: {  	v4 =	vperm.xlane v3, v0;
	_ =	sdelay $0x1  }
0x81: {  	v4 =	vadd.s32 v1, v4;
	_ =	sdelay $0x1  }
0x82: {  	v3 =	vperm.xlane v3, v2;
	_ =	sdelay $0x1  }
0x83: {  	s0 =	rddreg [dreg:$0x16];
	v3 =	vadd.s32 v1, v3  }
0x84: {  	[tilespmem:s0], [sflag:$0x1] =	stream.indirect_vreg.gather [hbm4b:s3+s2], $0x80, v4, vm0, $0xb8;
	[tilespmem:$0x18100] =	vst v63  }
0x85: {  	s9 =	rddreg [dreg:$0x17]  }
0x86: {  	[tilespmem:s9], [sflag:$0x1] =	stream.indirect_vreg.gather [hbm4b:s4+s2], $0x80, v4, vm1, $0xb8;
	[tilespmem:$0x18100] =	vst v63  }
0x87: {  	s0 =	rddreg [dreg:$0x18]  }
0x88: {  	[tilespmem:s0], [sflag:$0x1] =	stream.indirect_vreg.gather [hbm4b:s3+s2], $0x80, v3, vm0, $0xb8;
	[tilespmem:$0x18100] =	vst v63  }
0x89: {  	s9 =	rddreg [dreg:$0x19]  }
0x8a: {  	[tilespmem:s9], [sflag:$0x1] =	stream.indirect_vreg.gather [hbm4b:s4+s2], $0x80, v3, vm1, $0xb8;
	[tilespmem:$0x18100] =	vst v63  }
0x8b: {  	v3 =	vld [tilespmem:$0x50];
	_ =	sdelay $0x4  }
0x8c: {  	v53 =	vshrl.u32 v3, $0x3  }
0x8d: {  	v4 =	vmul.u32 $0x18, v53  }
0x8e: {  	v3 =	vand.u32 $0x7, v3  }
0x8f: {  	v3 =	vor.u32 v3, v4  }
0x90: {  	v4 =	vperm.xlane v3, v0;
	_ =	sdelay $0x1  }
0x91: {  	v4 =	vadd.s32 v1, v4;
	_ =	sdelay $0x1  }
0x92: {  	v3 =	vperm.xlane v3, v2;
	_ =	sdelay $0x1  }
0x93: {  	s0 =	rddreg [dreg:$0x1a];
	v3 =	vadd.s32 v1, v3  }
0x94: {  	[tilespmem:s0], [sflag:$0x1] =	stream.indirect_vreg.gather [hbm4b:s3+s2], $0x80, v4, vm0, $0xb8;
	[tilespmem:$0x18100] =	vst v63  }
0x95: {  	s9 =	rddreg [dreg:$0x1b]  }
0x96: {  	[tilespmem:s9], [sflag:$0x1] =	stream.indirect_vreg.gather [hbm4b:s4+s2], $0x80, v4, vm1, $0xb8;
	[tilespmem:$0x18100] =	vst v63  }
0x97: {  	s0 =	rddreg [dreg:$0x1c]  }
0x98: {  	[tilespmem:s0], [sflag:$0x1] =	stream.indirect_vreg.gather [hbm4b:s3+s2], $0x80, v3, vm0, $0xb8;
	[tilespmem:$0x18100] =	vst v63  }
0x99: {  	s9 =	rddreg [dreg:$0x1d]  }
0x9a: {  	[tilespmem:s9], [sflag:$0x1] =	stream.indirect_vreg.gather [hbm4b:s4+s2], $0x80, v3, vm1, $0xb8;
	[tilespmem:$0x18100] =	vst v63  }
0x9b: {  	v3 =	vld [tilespmem:$0x60];
	_ =	sdelay $0x4  }
0x9c: {  	v54 =	vshrl.u32 v3, $0x3  }
0x9d: {  	v4 =	vmul.u32 $0x18, v54  }
0x9e: {  	v3 =	vand.u32 $0x7, v3  }
0x9f: {  	v3 =	vor.u32 v3, v4  }
0xa0: {  	v4 =	vperm.xlane v3, v0;
	_ =	sdelay $0x1  }
0xa1: {  	v4 =	vadd.s32 v1, v4;
	_ =	sdelay $0x1  }
0xa2: {  	v3 =	vperm.xlane v3, v2  }
0xa3: {  	s0 =	rddreg [dreg:$0x1e]  }
0xa4: {  	s9 =	rddreg [dreg:$0x1f];
	v3 =	vadd.s32 v1, v3  }
0xa5: {  	[tilespmem:s0], [sflag:$0x1] =	stream.indirect_vreg.gather [hbm4b:s3+s2], $0x80, v4, vm0, $0xb8;
	[tilespmem:$0x18100] =	vst v63  }
0xa6: {  	s0 =	sld [smem:$0x7EF]  }
0xa7: {  	[tilespmem:s9], [sflag:$0x1] =	stream.indirect_vreg.gather [hbm4b:s4+s2], $0x80, v4, vm1, $0xb8;
	[tilespmem:$0x18100] =	vst v63  }
0xa8: {  	s9 =	sld [smem:$0x7F0]  }
0xa9: {  	[tilespmem:s0], [sflag:$0x1] =	stream.indirect_vreg.gather [hbm4b:s3+s2], $0x80, v3, vm0, $0xb8;
	[tilespmem:$0x18100] =	vst v63  }
0xaa: {  	_ = 	snop  }
0xab: {  	[tilespmem:s9], [sflag:$0x1] =	stream.indirect_vreg.gather [hbm4b:s4+s2], $0x80, v3, vm1, $0xb8;
	[tilespmem:$0x18100] =	vst v63  }
0xac: {  	v3 =	vld [tilespmem:$0x70];
	_ =	sdelay $0x4  }
0xad: {  	v55 =	vshrl.u32 v3, $0x3  }
0xae: {  	v4 =	vmul.u32 $0x18, v55  }
0xaf: {  	v3 =	vand.u32 $0x7, v3  }
0xb0: {  	v3 =	vor.u32 v3, v4  }
0xb1: {  	v4 =	vperm.xlane v3, v0;
	_ =	sdelay $0x1  }
0xb2: {  	v4 =	vadd.s32 v1, v4;
	_ =	sdelay $0x1  }
0xb3: {  	s0 =	sld [smem:$0x7F1];
	v3 =	vperm.xlane v3, v2;
	_ =	sdelay $0x1  }
0xb4: {  	s9 =	sld [smem:$0x7F2];
	v3 =	vadd.s32 v1, v3  }
0xb5: {  	[tilespmem:s0], [sflag:$0x1] =	stream.indirect_vreg.gather [hbm4b:s3+s2], $0x80, v4, vm0, $0xb8;
	[tilespmem:$0x18100] =	vst v63  }
0xb6: {  	s0 =	sld [smem:$0x7F3]  }
0xb7: {  	[tilespmem:s9], [sflag:$0x1] =	stream.indirect_vreg.gather [hbm4b:s4+s2], $0x80, v4, vm1, $0xb8;
	[tilespmem:$0x18100] =	vst v63  }
0xb8: {  	s9 =	sld [smem:$0x7F4]  }
0xb9: {  	[tilespmem:s0], [sflag:$0x1] =	stream.indirect_vreg.gather [hbm4b:s3+s2], $0x80, v3, vm0, $0xb8;
	[tilespmem:$0x18100] =	vst v63  }
0xba: {  	_ = 	snop  }
0xbb: {  	[tilespmem:s9], [sflag:$0x1] =	stream.indirect_vreg.gather [hbm4b:s4+s2], $0x80, v3, vm1, $0xb8;
	[tilespmem:$0x18100] =	vst v63  }
0xbc: {  	v3 =	vld [tilespmem:$0x80];
	_ =	sdelay $0x4  }
0xbd: {  	v56 =	vshrl.u32 v3, $0x3  }
0xbe: {  	v4 =	vmul.u32 $0x18, v56  }
0xbf: {  	v3 =	vand.u32 $0x7, v3  }
0xc0: {  	v3 =	vor.u32 v3, v4  }
0xc1: {  	v4 =	vperm.xlane v3, v0;
	_ =	sdelay $0x1  }
0xc2: {  	v4 =	vadd.s32 v1, v4;
	_ =	sdelay $0x1  }
0xc3: {  	v3 =	vperm.xlane v3, v2;
	_ =	sdelay $0x1  }
0xc4: {  	s0 =	sld [smem:$0x7F5];
	v3 =	vadd.s32 v1, v3  }
0xc5: {  	[tilespmem:s8], [sflag:$0x1] =	stream.indirect_vreg.gather [hbm4b:s3+s2], $0x80, v4, vm0, $0xb8;
	[tilespmem:$0x18100] =	vst v63  }
0xc6: {  	s9 =	sld [smem:$0x7F6]  }
0xc7: {  	[tilespmem:s0], [sflag:$0x1] =	stream.indirect_vreg.gather [hbm4b:s4+s2], $0x80, v4, vm1, $0xb8;
	[tilespmem:$0x18100] =	vst v63  }
0xc8: {  	s0 =	sld [smem:$0x7F7]  }
0xc9: {  	[tilespmem:s9], [sflag:$0x1] =	stream.indirect_vreg.gather [hbm4b:s3+s2], $0x80, v3, vm0, $0xb8;
	[tilespmem:$0x18100] =	vst v63  }
0xca: {  	_ = 	snop  }
0xcb: {  	[tilespmem:s0], [sflag:$0x1] =	stream.indirect_vreg.gather [hbm4b:s4+s2], $0x80, v3, vm1, $0xb8;
	[tilespmem:$0x18100] =	vst v63  }
0xcc: {  	v3 =	vld [tilespmem:$0x90];
	_ =	sdelay $0x4  }
0xcd: {  	v57 =	vshrl.u32 v3, $0x3  }
0xce: {  	v4 =	vmul.u32 $0x18, v57  }
0xcf: {  	v3 =	vand.u32 $0x7, v3  }
0xd0: {  	v3 =	vor.u32 v3, v4  }
0xd1: {  	v4 =	vperm.xlane v3, v0;
	_ =	sdelay $0x1  }
0xd2: {  	v4 =	vadd.s32 v1, v4;
	_ =	sdelay $0x1  }
0xd3: {  	s0 =	sld [smem:$0x7F8];
	v3 =	vperm.xlane v3, v2;
	_ =	sdelay $0x1  }
0xd4: {  	s9 =	sld [smem:$0x7F9];
	v3 =	vadd.s32 v1, v3  }
0xd5: {  	[tilespmem:s0], [sflag:$0x1] =	stream.indirect_vreg.gather [hbm4b:s3+s2], $0x80, v4, vm0, $0xb8;
	[tilespmem:$0x18100] =	vst v63  }
0xd6: {  	s0 =	sld [smem:$0x7FA]  }
0xd7: {  	[tilespmem:s9], [sflag:$0x1] =	stream.indirect_vreg.gather [hbm4b:s4+s2], $0x80, v4, vm1, $0xb8;
	[tilespmem:$0x18100] =	vst v63  }
0xd8: {  	s9 =	sld [smem:$0x7FB]  }
0xd9: {  	[tilespmem:s0], [sflag:$0x1] =	stream.indirect_vreg.gather [hbm4b:s3+s2], $0x80, v3, vm0, $0xb8;
	[tilespmem:$0x18100] =	vst v63  }
0xda: {  	_ = 	snop  }
0xdb: {  	[tilespmem:s9], [sflag:$0x1] =	stream.indirect_vreg.gather [hbm4b:s4+s2], $0x80, v3, vm1, $0xb8;
	[tilespmem:$0x18100] =	vst v63  }
0xdc: {  	v3 =	vld [tilespmem:$0xA0];
	_ =	sdelay $0x4  }
0xdd: {  	v58 =	vshrl.u32 v3, $0x3  }
0xde: {  	v4 =	vmul.u32 $0x18, v58  }
0xdf: {  	v3 =	vand.u32 $0x7, v3  }
0xe0: {  	v3 =	vor.u32 v3, v4  }
0xe1: {  	v4 =	vperm.xlane v3, v0;
	_ =	sdelay $0x1  }
0xe2: {  	v4 =	vadd.s32 v1, v4;
	_ =	sdelay $0x1  }
0xe3: {  	s0 =	sld [smem:$0x7FC];
	v3 =	vperm.xlane v3, v2;
	_ =	sdelay $0x1  }
0xe4: {  	s9 =	sld [smem:$0x7FD];
	v3 =	vadd.s32 v1, v3  }
0xe5: {  	[tilespmem:s0], [sflag:$0x1] =	stream.indirect_vreg.gather [hbm4b:s3+s2], $0x80, v4, vm0, $0xb8;
	[tilespmem:$0x18100] =	vst v63  }
0xe6: {  	_ = 	snop  }
0xe7: {  	[tilespmem:s9], [sflag:$0x1] =	stream.indirect_vreg.gather [hbm4b:s4+s2], $0x80, v4, vm1, $0xb8;
	[tilespmem:$0x18100] =	vst v63  }
0xe8: {  	s9 =	simm.s32 $0xFD00  }
0xe9: {  	[tilespmem:s9], [sflag:$0x1] =	stream.indirect_vreg.gather [hbm4b:s3+s2], $0x80, v3, vm0, $0xb8;
	[tilespmem:$0x18100] =	vst v63  }
0xea: {  	_ = 	snop  }
0xeb: {  	[tilespmem:s10], [sflag:$0x1] =	stream.indirect_vreg.gather [hbm4b:s4+s2], $0x80, v3, vm1, $0xb8;
	[tilespmem:$0x18100] =	vst v63  }
0xec: {  	v3 =	vld [tilespmem:$0xB0];
	_ =	sdelay $0x4  }
0xed: {  	v59 =	vshrl.u32 v3, $0x3  }
0xee: {  	v4 =	vmul.u32 $0x18, v59  }
0xef: {  	v3 =	vand.u32 $0x7, v3  }
0xf0: {  	v3 =	vor.u32 v3, v4  }
0xf1: {  	v4 =	vperm.xlane v3, v0;
	_ =	sdelay $0x1  }
0xf2: {  	v4 =	vadd.s32 v1, v4;
	_ =	sdelay $0x1  }
0xf3: {  	v3 =	vperm.xlane v3, v2;
	_ =	sdelay $0x1  }
0xf4: {  	v3 =	vadd.s32 v1, v3  }
0xf5: {  	[tilespmem:s11], [sflag:$0x1] =	stream.indirect_vreg.gather [hbm4b:s3+s2], $0x80, v4, vm0, $0xb8;
	[tilespmem:$0x18100] =	vst v63  }
0xf6: {  	_ = 	snop  }
0xf7: {  	[tilespmem:s12], [sflag:$0x1] =	stream.indirect_vreg.gather [hbm4b:s4+s2], $0x80, v4, vm1, $0xb8;
	[tilespmem:$0x18100] =	vst v63  }
0xf8: {  	_ = 	snop  }
0xf9: {  	[tilespmem:s13], [sflag:$0x1] =	stream.indirect_vreg.gather [hbm4b:s3+s2], $0x80, v3, vm0, $0xb8;
	[tilespmem:$0x18100] =	vst v63  }
0xfa: {  	_ = 	snop  }
0xfb: {  	[tilespmem:s14], [sflag:$0x1] =	stream.indirect_vreg.gather [hbm4b:s4+s2], $0x80, v3, vm1, $0xb8;
	[tilespmem:$0x18100] =	vst v63  }
0xfc: {  	v3 =	vld [tilespmem:$0xC0];
	_ =	sdelay $0x4  }
0xfd: {  	v60 =	vshrl.u32 v3, $0x3  }
0xfe: {  	v4 =	vmul.u32 $0x18, v60  }
0xff: {  	v3 =	vand.u32 $0x7, v3  }
0x100: {  	v3 =	vor.u32 v3, v4  }
0x101: {  	v4 =	vperm.xlane v3, v0;
	_ =	sdelay $0x1  }
0x102: {  	v4 =	vadd.s32 v1, v4;
	_ =	sdelay $0x1  }
0x103: {  	v3 =	vperm.xlane v3, v2;
	_ =	sdelay $0x1  }
0x104: {  	v3 =	vadd.s32 v1, v3  }
0x105: {  	[tilespmem:s15], [sflag:$0x1] =	stream.indirect_vreg.gather [hbm4b:s3+s2], $0x80, v4, vm0, $0xb8;
	[tilespmem:$0x18100] =	vst v63  }
0x106: {  	_ = 	snop  }
0x107: {  	[tilespmem:s16], [sflag:$0x1] =	stream.indirect_vreg.gather [hbm4b:s4+s2], $0x80, v4, vm1, $0xb8;
	[tilespmem:$0x18100] =	vst v63  }
0x108: {  	_ = 	snop  }
0x109: {  	[tilespmem:s17], [sflag:$0x1] =	stream.indirect_vreg.gather [hbm4b:s3+s2], $0x80, v3, vm0, $0xb8;
	[tilespmem:$0x18100] =	vst v63  }
0x10a: {  	_ = 	snop  }
0x10b: {  	[tilespmem:s18], [sflag:$0x1] =	stream.indirect_vreg.gather [hbm4b:s4+s2], $0x80, v3, vm1, $0xb8;
	[tilespmem:$0x18100] =	vst v63  }
0x10c: {  	v3 =	vld [tilespmem:$0xD0];
	_ =	sdelay $0x4  }
0x10d: {  	v61 =	vshrl.u32 v3, $0x3  }
0x10e: {  	v4 =	vmul.u32 $0x18, v61  }
0x10f: {  	v3 =	vand.u32 $0x7, v3  }
0x110: {  	v3 =	vor.u32 v3, v4  }
0x111: {  	v4 =	vperm.xlane v3, v0;
	_ =	sdelay $0x1  }
0x112: {  	v4 =	vadd.s32 v1, v4;
	_ =	sdelay $0x1  }
0x113: {  	v3 =	vperm.xlane v3, v2;
	_ =	sdelay $0x1  }
0x114: {  	v3 =	vadd.s32 v1, v3  }
0x115: {  	[tilespmem:s19], [sflag:$0x1] =	stream.indirect_vreg.gather [hbm4b:s3+s2], $0x80, v4, vm0, $0xb8;
	[tilespmem:$0x18100] =	vst v63  }
0x116: {  	_ = 	snop  }
0x117: {  	[tilespmem:s20], [sflag:$0x1] =	stream.indirect_vreg.gather [hbm4b:s4+s2], $0x80, v4, vm1, $0xb8;
	[tilespmem:$0x18100] =	vst v63  }
0x118: {  	_ = 	snop  }
0x119: {  	[tilespmem:s21], [sflag:$0x1] =	stream.indirect_vreg.gather [hbm4b:s3+s2], $0x80, v3, vm0, $0xb8;
	[tilespmem:$0x18100] =	vst v63  }
0x11a: {  	_ = 	snop  }
0x11b: {  	[tilespmem:s22], [sflag:$0x1] =	stream.indirect_vreg.gather [hbm4b:s4+s2], $0x80, v3, vm1, $0xb8;
	[tilespmem:$0x18100] =	vst v63  }
0x11c: {  	v3 =	vld [tilespmem:$0xE0];
	_ =	sdelay $0x4  }
0x11d: {  	v62 =	vshrl.u32 v3, $0x3  }
0x11e: {  	v4 =	vmul.u32 $0x18, v62  }
0x11f: {  	v3 =	vand.u32 $0x7, v3  }
0x120: {  	v3 =	vor.u32 v3, v4  }
0x121: {  	v4 =	vperm.xlane v3, v0;
	_ =	sdelay $0x1  }
0x122: {  	v4 =	vadd.s32 v1, v4;
	_ =	sdelay $0x1  }
0x123: {  	v3 =	vperm.xlane v3, v2;
	_ =	sdelay $0x1  }
0x124: {  	v3 =	vadd.s32 v1, v3  }
0x125: {  	[tilespmem:s23], [sflag:$0x1] =	stream.indirect_vreg.gather [hbm4b:s3+s2], $0x80, v4, vm0, $0xb8;
	[tilespmem:$0x18100] =	vst v63  }
0x126: {  	_ = 	snop  }
0x127: {  	[tilespmem:s24], [sflag:$0x1] =	stream.indirect_vreg.gather [hbm4b:s4+s2], $0x80, v4, vm1, $0xb8;
	[tilespmem:$0x18100] =	vst v63  }
0x128: {  	_ = 	snop  }
0x129: {  	[tilespmem:s25], [sflag:$0x1] =	stream.indirect_vreg.gather [hbm4b:s3+s2], $0x80, v3, vm0, $0xb8;
	[tilespmem:$0x18100] =	vst v63  }
0x12a: {  	_ = 	snop  }
0x12b: {  	[tilespmem:s26], [sflag:$0x1] =	stream.indirect_vreg.gather [hbm4b:s4+s2], $0x80, v3, vm1, $0xb8;
	[tilespmem:$0x18100] =	vst v63  }
0x12c: {  	v3 =	vld [tilespmem:$0xF0];
	_ =	sdelay $0x4  }
0x12d: {  	v63 =	vshrl.u32 v3, $0x3  }
0x12e: {  	v4 =	vmul.u32 $0x18, v63  }
0x12f: {  	v3 =	vand.u32 $0x7, v3  }
0x130: {  	v3 =	vor.u32 v3, v4  }
0x131: {  	v4 =	vperm.xlane v3, v0;
	_ =	sdelay $0x1  }
0x132: {  	v4 =	vadd.s32 v1, v4;
	_ =	sdelay $0x1  }
0x133: {  	v3 =	vperm.xlane v3, v2;
	_ =	sdelay $0x1  }
0x134: {  	v3 =	vadd.s32 v1, v3  }
0x135: {  	[tilespmem:s28], [sflag:$0x1] =	stream.indirect_vreg.gather [hbm4b:s3+s2], $0x80, v4, vm0, $0xb8;
	[tilespmem:$0x18100] =	vst v63  }
0x136: {  	_ = 	snop  }
0x137: {  	[tilespmem:s29], [sflag:$0x1] =	stream.indirect_vreg.gather [hbm4b:s4+s2], $0x80, v4, vm1, $0xb8;
	[tilespmem:$0x18100] =	vst v63  }
0x138: {  	_ = 	snop  }
0x139: {  	[tilespmem:s30], [sflag:$0x1] =	stream.indirect_vreg.gather [hbm4b:s3+s2], $0x80, v3, vm0, $0xb8;
	[tilespmem:$0x18100] =	vst v63  }
0x13a: {  	_ = 	snop  }
0x13b: {  	[tilespmem:s31], [sflag:$0x1] =	stream.indirect_vreg.gather [hbm4b:s4+s2], $0x80, v3, vm1, $0xb8;
	[tilespmem:$0x18100] =	vst v63  }
0x13c: {  	_ =	swait.ge [sflag:s1], $0xC000  }
0x13d: {  	[sflag:s1] =	ssyncset.done $0x0  }
0x13e: {  	s9 =	rddreg [dreg:$0x5];
	[sflag:s1] =	ssyncadd.s32 $0xFFFF4000  }
0x13f: {  	[hbm4b:s9+s2] =	stream.linear.scatter [tilespmem:s7], [sflag:$0x2], $0xC000, $0x38;
	[tilespmem:$0x18100] =	vst v63  }
0x140: {  	_ =	swait.ge [sflag:s6], $0xC000  }
0x141: {  	[sflag:s6] =	ssyncset.done $0x0  }
0x142: {  	[sflag:s6] =	ssyncadd.s32 $0xFFFF4000  }
0x143: {  	_ =	swait.ge [sflag:s1], $0xC000  }
0x144: {  	p0 =	sne.s32 s5, $0x1;
	[sflag:s1] =	ssyncset.done $0x0  }
.Ltmp0:
0x145: {  	s9 =	rddreg [dreg:$0x6];
	[sflag:s1] =	ssyncadd.s32 $0xFFFF4000;
	(pc) =	sbr.rel @p0 .LBB2_1-.Ltmp0, $4  }
0x146: {  	[hbm4b:s9+s2] =	stream.linear.scatter [tilespmem:s8], [sflag:$0x2], $0xC000, $0x38;
	[tilespmem:$0x18100] =	vst v63  }
0x147: {  	_ =	swait.ge [sflag:s6], $0xC000  }
0x148: {  	[sflag:s6] =	ssyncset.done $0x0  }
0x149: {  	s5 =	sadd.s32 $0xFFFFFFFF, s5;
	[sflag:s6] =	ssyncadd.s32 $0xFFFF4000  }
0x14a: {  	_ =	sfence.sel $0x180000  }
0x14b: {  	[bflag:$0x0] =	sbarrier.arrive $0xFFFF  }
0x14c: {  	_ =	strace $0x90000047  }
0x14d: {  	s0 =	stileid.u32;
	[bflag:$0x2] =	sbarrier.arrive $0xFFFF  }
0x14e: {  	p0 =	sne.s32 s0, $0x0;
	s0 =	rddreg [dreg:$0x3]  }
0x14f: {  	s0 =	sadd.s32 @!p0 $0x100000, s0  }
0x150: {  	[sflag:s0] =	ssyncadd.tile.s32 @!p0 $0x1;
	_ =	shalt  }
.Lfunc_end2:
_tile_overlayer_lowered:
.L_overlay_start_2:
0x151: {  	(tag) =	ssettag $0x2  }
0x152: {  	s0 =	rddreg [dreg:$0x0];
	s2 =	stileid.u32  }
0x153: {  	s1 =	rddreg [dreg:$0x1];
	p0 =	sne.s32 s2, $0x0  }
0x154: {  	s3 =	rddreg [dreg:$0x2];
	[bflag:$0x3] =	sbarrier.arrive $0xFFFF;
	s2 =	simm.s32 @!p0 $0x1C02  }
0x155: {  	[timem:s3], [sflag:s2] =	dma.local @!p0 [hbm:s0], s1  }
0x156: {  	s0 =	simm.s32 @!p0 $0x2  }
0x157: {  	_ =	swait.ge @!p0 [sflag:s0], s1  }
0x158: {  	s1 =	ssub.s32 @!p0 $0x0, s1;
	[sflag:s0] =	ssyncset.done @!p0 $0x0  }
0x159: {  	[sflag:s0] =	ssyncadd.s32 @!p0 s1  }
0x15a: {  	[bflag:$0x3] =	sbarrier.arrive $0xFFFF  }
0x15b: {  	_ =	shalt  }

</sc_bundles>
